<compile_context>
chip_gen: v7x
topology: tpu7x:2x2x1
jax: 0.10.2.dev20260603
libtpu: 0.0.44.dev20260713+nightly
codegen_flags: <defaults>
</compile_context>

<pallas_src>
import functools

import jax
import jax.numpy as jnp
from jax import lax
from jax.experimental import pallas as pl
from jax.experimental.pallas import tpu as pltpu
from jax.experimental.pallas import tpu_sc as plsc

D = 64
L = 50
B = 4096
V = 100000
NC = 2
NS = 16
NW = NC * NS
PASSES = D // NW
VR = B // 16
NIB = 3
NST = 2
STEP = 6


def _build_kernel():
    mesh = plsc.VectorSubcoreMesh(core_axis_name="c", subcore_axis_name="s")

    @functools.partial(
        pl.kernel,
        mesh=mesh,
        compiler_params=pltpu.CompilerParams(needs_layout_passes=False),
        out_type=jax.ShapeDtypeStruct((L, D, B), jnp.float32),
        scratch_types=(
            [pltpu.VMEM((V,), jnp.float32)]
            + [pltpu.VMEM((B,), jnp.int32) for _ in range(NIB)]
            + [pltpu.VMEM((B,), jnp.float32) for _ in range(NST)]
            + [pltpu.VMEM((L, 16), jnp.float32)]
            + [pltpu.SemaphoreType.DMA for _ in range(NIB + NST)]
        ),
    )
    def gather_add(ids_hbm, feat_hbm, posb_hbm, out_hbm, trow, *rest):
        ibufs = rest[:NIB]
        stgs = rest[NIB:NIB + NST]
        pbv = rest[NIB + NST]
        isems = rest[NIB + NST + 1:NIB + NST + 1 + NIB]
        wsems = rest[NIB + NST + 1 + NIB:]
        wid = lax.axis_index("s") * NC + lax.axis_index("c")

        def pass_body(f, carry):
            d = wid + f * NW
            pltpu.sync_copy(feat_hbm.at[d], trow)
            pltpu.sync_copy(posb_hbm.at[d], pbv)
            pltpu.async_copy(ids_hbm.at[0], ibufs[0], isems[0])
            pltpu.async_copy(ids_hbm.at[1], ibufs[1], isems[1])

            def do_row(l, ji, js):
                @pl.when(l >= 2)
                def _():
                    pltpu.make_async_copy(
                        stgs[js], out_hbm.at[l - 2, d], wsems[js]).wait()

                pltpu.make_async_copy(
                    ids_hbm.at[0], ibufs[ji], isems[ji]).wait()

                @pl.when(l + 2 < L)
                def _():
                    pltpu.async_copy(
                        ids_hbm.at[l + 2], ibufs[(ji + 2) % NIB],
                        isems[(ji + 2) % NIB])

                pv = pbv[l, pl.ds(0, 16)]

                @plsc.parallel_loop(0, VR, 1, unroll=8)
                def _(k):
                    sl = pl.ds(k * 16, 16)
                    iv = ibufs[ji][sl]
                    stgs[js][sl] = plsc.load_gather(trow, [iv]) + pv

                pltpu.async_copy(stgs[js], out_hbm.at[l, d], wsems[js])

            def row_group(go, carry2):
                for j in range(STEP):
                    do_row(go * STEP + j, j % NIB, j % NST)
                return carry2

            lax.fori_loop(0, L // STEP, row_group, 0)
            for l in range(L - L % STEP, L):
                do_row(l, l % NIB, l % NST)
            pltpu.make_async_copy(
                stgs[(L - 2) % NST], out_hbm.at[L - 2, d],
                wsems[(L - 2) % NST]).wait()
            pltpu.make_async_copy(
                stgs[(L - 1) % NST], out_hbm.at[L - 1, d],
                wsems[(L - 1) % NST]).wait()
            return carry

        lax.fori_loop(0, PASSES, pass_body, 0)

    return gather_add


def kernel(phrase, phrase_emb_weight, pos_emb_weight):
    Bsz, Lseq = phrase.shape
    ids = phrase.T.astype(jnp.int32)
    feat = phrase_emb_weight.T
    pos = pos_emb_weight[:Lseq]
    posb = jnp.broadcast_to(pos.T[:, :, None], (pos.shape[1], Lseq, 16))
    out_phys = _build_kernel()(ids, feat, posb)
    return jnp.transpose(out_phys, (2, 0, 1))

# --- scband reference (transcript-rebuilt; emitter-appended) ---
"""Pipeline reference for scband-phrase-embedding-17111149707657 (READ-ONLY COPY).

The authoritative reference and input builder live on the scoring server;
editing this copy changes nothing except your own understanding.
"""

import jax, jax.numpy as jnp
import numpy as np

VOCAB_LEN = 100000
MAX_PHRASE_LEN = 50
HID_DIM = 64
BATCH = 4096
L = 50

def setup_inputs(seed: int = 0) -> dict:
    key = jax.random.key(seed)
    k1, k2, k3 = jax.random.split(key, 3)
    phrase = jax.random.randint(k1, (BATCH, L), 0, VOCAB_LEN, dtype=jnp.int64 if jax.config.jax_enable_x64 else jnp.int32)
    phrase_emb_weight = jax.random.normal(k2, (VOCAB_LEN, HID_DIM), dtype=jnp.float32)
    pos_emb_weight = jax.random.normal(k3, (MAX_PHRASE_LEN, HID_DIM), dtype=jnp.float32)
    return {"phrase": phrase, "phrase_emb_weight": phrase_emb_weight, "pos_emb_weight": pos_emb_weight}

def reference(phrase, phrase_emb_weight, pos_emb_weight):
    B, Lseq = phrase.shape
    pos = jnp.arange(Lseq)
    pos = jnp.broadcast_to(pos[None, :], (B, Lseq))
    phrase_e = jnp.take(phrase_emb_weight, phrase, axis=0)
    pos_e = jnp.take(pos_emb_weight, pos, axis=0)
    return phrase_e + pos_e

if __name__ == "__main__":
    import jax
    _d = setup_inputs()
    print(jax.jit(kernel)(*tuple(_d.values())))

</pallas_src>

<mosaic_0001>
#map = affine_map<(d0, d1) -> (0, 0)>
#map1 = affine_map<(d0, d1) -> (0, 0, 0)>
module attributes {stable_mosaic.version = 14 : i64} {
  func.func @gather_add(%arg0: i32, %arg1: i32, %arg2: memref<50x4096xi32, #tpu.memory_space<hbm>>, %arg3: memref<64x100000xf32, #tpu.memory_space<hbm>>, %arg4: memref<64x50x16xf32, #tpu.memory_space<hbm>>, %arg5: memref<50x64x4096xf32, #tpu.memory_space<hbm>>, %arg6: memref<100000xf32, #tpu.memory_space<vmem>>, %arg7: memref<4096xi32, #tpu.memory_space<vmem>>, %arg8: memref<4096xi32, #tpu.memory_space<vmem>>, %arg9: memref<4096xi32, #tpu.memory_space<vmem>>, %arg10: memref<4096xf32, #tpu.memory_space<vmem>>, %arg11: memref<4096xf32, #tpu.memory_space<vmem>>, %arg12: memref<50x16xf32, #tpu.memory_space<vmem>>, %arg13: memref<!tpu.dma_semaphore, #tpu.memory_space<semaphore_mem>>, %arg14: memref<!tpu.dma_semaphore, #tpu.memory_space<semaphore_mem>>, %arg15: memref<!tpu.dma_semaphore, #tpu.memory_space<semaphore_mem>>, %arg16: memref<!tpu.dma_semaphore, #tpu.memory_space<semaphore_mem>>, %arg17: memref<!tpu.dma_semaphore, #tpu.memory_space<semaphore_mem>>) attributes {dimension_semantics = [#tpu.dimension_semantics<core_parallel>, #tpu.dimension_semantics<subcore_parallel>], iteration_bounds = array<i64: 2, 16>, scalar_prefetch = 0 : i64, scratch_operands = 12 : i64, tpu.core_type = #tpu.core_type<sc_vector_subcore>, window_params = [{transform_indices = #map}, {transform_indices = #map}, {transform_indices = #map1}, {transform_indices = #map1}]} {
    %mul3A = arith.constant 2 : i32
    %mul3A_0 = arith.muli %arg1, %mul3A : i32
    %add3A = arith.addi %mul3A_0, %arg0 : i32
    %scan3A = arith.constant 0 : i32
    %scan3A_1 = arith.constant 0 : i32
    %scan3A_2 = arith.constant 2 : i32
    %scan3A_3 = arith.addi %scan3A_1, %scan3A_2 : i32
    %scan3A_4 = arith.constant 1 : i32
    scf.for %scan3A_6 = %scan3A_1 to %scan3A_3 step %scan3A_4  : i32 {
      %mul3A_7 = arith.constant 32 : i32
      %mul3A_8 = arith.muli %scan3A_6, %mul3A_7 : i32
      %add3A_9 = arith.addi %add3A, %mul3A_8 : i32
      "tpu.region"() ({
        %run_scoped3A = tpu.sem_alloc : memref<!tpu.dma_semaphore, #tpu.memory_space<semaphore_mem>>
        %dma_start3A_96 = arith.constant 0 : i32
        %dma_start3A_97 = tpu.memref_slice %arg3[%add3A_9, %dma_start3A_96] : memref<64x100000xf32, #tpu.memory_space<hbm>> -> memref<1x100000xf32, #tpu.memory_space<hbm>>
        %dma_start3A_98 = tpu.memref_squeeze %dma_start3A_97 : memref<1x100000xf32, #tpu.memory_space<hbm>> -> memref<100000xf32, #tpu.memory_space<hbm>>
        %dma_start3A_99 = arith.constant 0 : i32
        %dma_start3A_100 = tpu.memref_slice %arg3[%add3A_9, %dma_start3A_99] : memref<64x100000xf32, #tpu.memory_space<hbm>> -> memref<1x100000xf32, #tpu.memory_space<hbm>>
        %dma_start3A_101 = tpu.memref_squeeze %dma_start3A_100 : memref<1x100000xf32, #tpu.memory_space<hbm>> -> memref<100000xf32, #tpu.memory_space<hbm>>
        tpu.enqueue_dma source(%dma_start3A_101 : memref<100000xf32, #tpu.memory_space<hbm>>) target(%arg6 : memref<100000xf32, #tpu.memory_space<vmem>>) target_semaphore(%run_scoped3A : memref<!tpu.dma_semaphore, #tpu.memory_space<semaphore_mem>>)
        %dma_wait3A_102 = arith.constant 0 : i32
        %dma_wait3A_103 = tpu.memref_slice %arg3[%add3A_9, %dma_wait3A_102] : memref<64x100000xf32, #tpu.memory_space<hbm>> -> memref<1x100000xf32, #tpu.memory_space<hbm>>
        %dma_wait3A_104 = tpu.memref_squeeze %dma_wait3A_103 : memref<1x100000xf32, #tpu.memory_space<hbm>> -> memref<100000xf32, #tpu.memory_space<hbm>>
        %dma_wait3A_105 = arith.constant 0 : i32
        %dma_wait3A_106 = tpu.memref_slice %arg3[%add3A_9, %dma_wait3A_105] : memref<64x100000xf32, #tpu.memory_space<hbm>> -> memref<1x100000xf32, #tpu.memory_space<hbm>>
        %dma_wait3A_107 = tpu.memref_squeeze %dma_wait3A_106 : memref<1x100000xf32, #tpu.memory_space<hbm>> -> memref<100000xf32, #tpu.memory_space<hbm>>
        tpu.wait_dma2 semaphore(%run_scoped3A : memref<!tpu.dma_semaphore, #tpu.memory_space<semaphore_mem>>) src(%dma_wait3A_107 : memref<100000xf32, #tpu.memory_space<hbm>>) dst(%arg6 : memref<100000xf32, #tpu.memory_space<vmem>>)
        tpu.yield
      }) : () -> ()
      "tpu.region"() ({
        %run_scoped3A = tpu.sem_alloc : memref<!tpu.dma_semaphore, #tpu.memory_space<semaphore_mem>>
        %dma_start3A_96 = arith.constant 0 : i32
        %dma_start3A_97 = arith.constant 0 : i32
        %dma_start3A_98 = tpu.memref_slice %arg4[%add3A_9, %dma_start3A_96, %dma_start3A_97] : memref<64x50x16xf32, #tpu.memory_space<hbm>> -> memref<1x50x16xf32, #tpu.memory_space<hbm>>
        %dma_start3A_99 = tpu.memref_squeeze %dma_start3A_98 : memref<1x50x16xf32, #tpu.memory_space<hbm>> -> memref<50x16xf32, #tpu.memory_space<hbm>>
        %dma_start3A_100 = arith.constant 0 : i32
        %dma_start3A_101 = arith.constant 0 : i32
        %dma_start3A_102 = tpu.memref_slice %arg4[%add3A_9, %dma_start3A_100, %dma_start3A_101] : memref<64x50x16xf32, #tpu.memory_space<hbm>> -> memref<1x50x16xf32, #tpu.memory_space<hbm>>
        %dma_start3A_103 = tpu.memref_squeeze %dma_start3A_102 : memref<1x50x16xf32, #tpu.memory_space<hbm>> -> memref<50x16xf32, #tpu.memory_space<hbm>>
        tpu.enqueue_dma source(%dma_start3A_103 : memref<50x16xf32, #tpu.memory_space<hbm>>) target(%arg12 : memref<50x16xf32, #tpu.memory_space<vmem>>) target_semaphore(%run_scoped3A : memref<!tpu.dma_semaphore, #tpu.memory_space<semaphore_mem>>)
        %dma_wait3A_104 = arith.constant 0 : i32
        %dma_wait3A_105 = arith.constant 0 : i32
        %dma_wait3A_106 = tpu.memref_slice %arg4[%add3A_9, %dma_wait3A_104, %dma_wait3A_105] : memref<64x50x16xf32, #tpu.memory_space<hbm>> -> memref<1x50x16xf32, #tpu.memory_space<hbm>>
        %dma_wait3A_107 = tpu.memref_squeeze %dma_wait3A_106 : memref<1x50x16xf32, #tpu.memory_space<hbm>> -> memref<50x16xf32, #tpu.memory_space<hbm>>
        %dma_wait3A_108 = arith.constant 0 : i32
        %dma_wait3A_109 = arith.constant 0 : i32
        %dma_wait3A_110 = tpu.memref_slice %arg4[%add3A_9, %dma_wait3A_108, %dma_wait3A_109] : memref<64x50x16xf32, #tpu.memory_space<hbm>> -> memref<1x50x16xf32, #tpu.memory_space<hbm>>
        %dma_wait3A_111 = tpu.memref_squeeze %dma_wait3A_110 : memref<1x50x16xf32, #tpu.memory_space<hbm>> -> memref<50x16xf32, #tpu.memory_space<hbm>>
        tpu.wait_dma2 semaphore(%run_scoped3A : memref<!tpu.dma_semaphore, #tpu.memory_space<semaphore_mem>>) src(%dma_wait3A_111 : memref<50x16xf32, #tpu.memory_space<hbm>>) dst(%arg12 : memref<50x16xf32, #tpu.memory_space<vmem>>)
        tpu.yield
      }) : () -> ()
      %dma_start3A = arith.constant 0 : i32
      %dma_start3A_10 = arith.constant 0 : i32
      %dma_start3A_11 = tpu.memref_slice %arg2[%dma_start3A, %dma_start3A_10] : memref<50x4096xi32, #tpu.memory_space<hbm>> -> memref<1x4096xi32, #tpu.memory_space<hbm>>
      %dma_start3A_12 = tpu.memref_squeeze %dma_start3A_11 : memref<1x4096xi32, #tpu.memory_space<hbm>> -> memref<4096xi32, #tpu.memory_space<hbm>>
      %dma_start3A_13 = arith.constant 0 : i32
      %dma_start3A_14 = tpu.memref_slice %arg2[%dma_start3A, %dma_start3A_13] : memref<50x4096xi32, #tpu.memory_space<hbm>> -> memref<1x4096xi32, #tpu.memory_space<hbm>>
      %dma_start3A_15 = tpu.memref_squeeze %dma_start3A_14 : memref<1x4096xi32, #tpu.memory_space<hbm>> -> memref<4096xi32, #tpu.memory_space<hbm>>
      tpu.enqueue_dma source(%dma_start3A_15 : memref<4096xi32, #tpu.memory_space<hbm>>) target(%arg7 : memref<4096xi32, #tpu.memory_space<vmem>>) target_semaphore(%arg13 : memref<!tpu.dma_semaphore, #tpu.memory_space<semaphore_mem>>)
      %dma_start3A_16 = arith.constant 1 : i32
      %dma_start3A_17 = arith.constant 0 : i32
      %dma_start3A_18 = tpu.memref_slice %arg2[%dma_start3A_16, %dma_start3A_17] : memref<50x4096xi32, #tpu.memory_space<hbm>> -> memref<1x4096xi32, #tpu.memory_space<hbm>>
      %dma_start3A_19 = tpu.memref_squeeze %dma_start3A_18 : memref<1x4096xi32, #tpu.memory_space<hbm>> -> memref<4096xi32, #tpu.memory_space<hbm>>
      %dma_start3A_20 = arith.constant 0 : i32
      %dma_start3A_21 = tpu.memref_slice %arg2[%dma_start3A_16, %dma_start3A_20] : memref<50x4096xi32, #tpu.memory_space<hbm>> -> memref<1x4096xi32, #tpu.memory_space<hbm>>
      %dma_start3A_22 = tpu.memref_squeeze %dma_start3A_21 : memref<1x4096xi32, #tpu.memory_space<hbm>> -> memref<4096xi32, #tpu.memory_space<hbm>>
      tpu.enqueue_dma source(%dma_start3A_22 : memref<4096xi32, #tpu.memory_space<hbm>>) target(%arg8 : memref<4096xi32, #tpu.memory_space<vmem>>) target_semaphore(%arg14 : memref<!tpu.dma_semaphore, #tpu.memory_space<semaphore_mem>>)
      %scan3A_23 = arith.constant 0 : i32
      %scan3A_24 = arith.constant 0 : i32
      %scan3A_25 = arith.constant 8 : i32
      %scan3A_26 = arith.addi %scan3A_24, %scan3A_25 : i32
      %scan3A_27 = arith.constant 1 : i32
      scf.for %scan3A_96 = %scan3A_24 to %scan3A_26 step %scan3A_27  : i32 {
        %mul3A_97 = arith.constant 6 : i32
        %mul3A_98 = arith.muli %scan3A_96, %mul3A_97 : i32
        %add3A_99 = arith.constant 0 : i32
        %add3A_100 = arith.addi %mul3A_98, %add3A_99 : i32
        %ge3A = arith.constant 2 : i32
        %ge3A_101 = arith.cmpi sge, %add3A_100, %ge3A : i32
        %convert_element_type3A = arith.extui %ge3A_101 : i1 to i32
        %cond3A = arith.constant 0 : i32
        %cond3A_102 = arith.cmpi ne, %convert_element_type3A, %cond3A : i32
        scf.if %cond3A_102 {
          %sub3A = arith.constant 2 : i32
          %sub3A_303 = arith.subi %add3A_100, %sub3A : i32
          %dma_wait3A_304 = arith.constant 0 : i32
          %dma_wait3A_305 = tpu.memref_slice %arg5[%sub3A_303, %add3A_9, %dma_wait3A_304] : memref<50x64x4096xf32, #tpu.memory_space<hbm>> -> memref<1x1x4096xf32, #tpu.memory_space<hbm>>
          %dma_wait3A_306 = tpu.memref_squeeze %dma_wait3A_305 : memref<1x1x4096xf32, #tpu.memory_space<hbm>> -> memref<4096xf32, #tpu.memory_space<hbm>>
          %dma_wait3A_307 = arith.constant 0 : i32
          %dma_wait3A_308 = tpu.memref_slice %arg5[%sub3A_303, %add3A_9, %dma_wait3A_307] : memref<50x64x4096xf32, #tpu.memory_space<hbm>> -> memref<1x1x4096xf32, #tpu.memory_space<hbm>>
          %dma_wait3A_309 = tpu.memref_squeeze %dma_wait3A_308 : memref<1x1x4096xf32, #tpu.memory_space<hbm>> -> memref<4096xf32, #tpu.memory_space<hbm>>
          tpu.wait_dma2 semaphore(%arg16 : memref<!tpu.dma_semaphore, #tpu.memory_space<semaphore_mem>>) src(%arg10 : memref<4096xf32, #tpu.memory_space<vmem>>) dst(%dma_wait3A_309 : memref<4096xf32, #tpu.memory_space<hbm>>)
        } else {
        }
        %dma_wait3A_103 = arith.constant 0 : i32
        %dma_wait3A_104 = arith.constant 0 : i32
        %dma_wait3A_105 = tpu.memref_slice %arg2[%dma_wait3A_103, %dma_wait3A_104] : memref<50x4096xi32, #tpu.memory_space<hbm>> -> memref<1x4096xi32, #tpu.memory_space<hbm>>
        %dma_wait3A_106 = tpu.memref_squeeze %dma_wait3A_105 : memref<1x4096xi32, #tpu.memory_space<hbm>> -> memref<4096xi32, #tpu.memory_space<hbm>>
        %dma_wait3A_107 = arith.constant 0 : i32
        %dma_wait3A_108 = tpu.memref_slice %arg2[%dma_wait3A_103, %dma_wait3A_107] : memref<50x4096xi32, #tpu.memory_space<hbm>> -> memref<1x4096xi32, #tpu.memory_space<hbm>>
        %dma_wait3A_109 = tpu.memref_squeeze %dma_wait3A_108 : memref<1x4096xi32, #tpu.memory_space<hbm>> -> memref<4096xi32, #tpu.memory_space<hbm>>
        tpu.wait_dma2 semaphore(%arg13 : memref<!tpu.dma_semaphore, #tpu.memory_space<semaphore_mem>>) src(%dma_wait3A_109 : memref<4096xi32, #tpu.memory_space<hbm>>) dst(%arg7 : memref<4096xi32, #tpu.memory_space<vmem>>)
        %add3A_110 = arith.constant 2 : i32
        %add3A_111 = arith.addi %add3A_100, %add3A_110 : i32
        %lt3A = arith.constant 50 : i32
        %lt3A_112 = arith.cmpi slt, %add3A_111, %lt3A : i32
        %convert_element_type3A_113 = arith.extui %lt3A_112 : i1 to i32
        %cond3A_114 = arith.constant 0 : i32
        %cond3A_115 = arith.cmpi ne, %convert_element_type3A_113, %cond3A_114 : i32
        scf.if %cond3A_115 {
          %add3A_303 = arith.constant 2 : i32
          %add3A_304 = arith.addi %add3A_100, %add3A_303 : i32
          %dma_start3A_305 = arith.constant 0 : i32
          %dma_start3A_306 = tpu.memref_slice %arg2[%add3A_304, %dma_start3A_305] : memref<50x4096xi32, #tpu.memory_space<hbm>> -> memref<1x4096xi32, #tpu.memory_space<hbm>>
          %dma_start3A_307 = tpu.memref_squeeze %dma_start3A_306 : memref<1x4096xi32, #tpu.memory_space<hbm>> -> memref<4096xi32, #tpu.memory_space<hbm>>
          %dma_start3A_308 = arith.constant 0 : i32
          %dma_start3A_309 = tpu.memref_slice %arg2[%add3A_304, %dma_start3A_308] : memref<50x4096xi32, #tpu.memory_space<hbm>> -> memref<1x4096xi32, #tpu.memory_space<hbm>>
          %dma_start3A_310 = tpu.memref_squeeze %dma_start3A_309 : memref<1x4096xi32, #tpu.memory_space<hbm>> -> memref<4096xi32, #tpu.memory_space<hbm>>
          tpu.enqueue_dma source(%dma_start3A_310 : memref<4096xi32, #tpu.memory_space<hbm>>) target(%arg9 : memref<4096xi32, #tpu.memory_space<vmem>>) target_semaphore(%arg15 : memref<!tpu.dma_semaphore, #tpu.memory_space<semaphore_mem>>)
        } else {
        }
        %get3A_116 = arith.index_cast %add3A_100 : i32 to index
        %get3A_117 = arith.constant 0 : index
        %get3A_118 = tpu.vector_load %arg12[%get3A_116, %get3A_117] {strides = array<i32>} : memref<50x16xf32, #tpu.memory_space<vmem>>, vector<16xf32>,
        %parallel_loop3A_119 = arith.constant 0 : i32
        %parallel_loop3A_120 = arith.constant 256 : i32
        %parallel_loop3A_121 = arith.constant 1 : i32
        scf.for %parallel_loop3A_303 = %parallel_loop3A_119 to %parallel_loop3A_120 step %parallel_loop3A_121  : i32 {
          %parallel_loop3A_304 = arith.constant 16 : i32
          %parallel_loop3A_305 = arith.muli %parallel_loop3A_303, %parallel_loop3A_304 : i32
          %parallel_loop3A_306 = arith.index_cast %parallel_loop3A_305 : i32 to index
          %parallel_loop3A_307 = tpu.vector_load %arg7[%parallel_loop3A_306] {strides = array<i32>} : memref<4096xi32, #tpu.memory_space<vmem>>, vector<16xi32>,
          %parallel_loop3A_308 = tpu.vector_load_idx %arg6[%parallel_loop3A_307] : memref<100000xf32, #tpu.memory_space<vmem>>[vector<16xi32>], vector<16xf32>,
          %parallel_loop3A_309 = arith.addf %parallel_loop3A_308, %get3A_118 : vector<16xf32>
          %parallel_loop3A_310 = arith.index_cast %parallel_loop3A_305 : i32 to index
          %parallel_loop3A_311 = tpu.vector_load %arg10[%parallel_loop3A_310] {strides = array<i32>} : memref<4096xf32, #tpu.memory_space<vmem>>, vector<16xf32>,
          tpu.vector_store %arg10[%parallel_loop3A_310], %parallel_loop3A_309 {strides = array<i32>} : memref<4096xf32, #tpu.memory_space<vmem>>, vector<16xf32>,
        } {sc.loop_unroll_factor = 8 : i64, sc.parallel_access}
        %dma_start3A_122 = arith.constant 0 : i32
        %dma_start3A_123 = tpu.memref_slice %arg5[%add3A_100, %add3A_9, %dma_start3A_122] : memref<50x64x4096xf32, #tpu.memory_space<hbm>> -> memref<1x1x4096xf32, #tpu.memory_space<hbm>>
        %dma_start3A_124 = tpu.memref_squeeze %dma_start3A_123 : memref<1x1x4096xf32, #tpu.memory_space<hbm>> -> memref<4096xf32, #tpu.memory_space<hbm>>
        %dma_start3A_125 = arith.constant 0 : i32
        %dma_start3A_126 = tpu.memref_slice %arg5[%add3A_100, %add3A_9, %dma_start3A_125] : memref<50x64x4096xf32, #tpu.memory_space<hbm>> -> memref<1x1x4096xf32, #tpu.memory_space<hbm>>
        %dma_start3A_127 = tpu.memref_squeeze %dma_start3A_126 : memref<1x1x4096xf32, #tpu.memory_space<hbm>> -> memref<4096xf32, #tpu.memory_space<hbm>>
        tpu.enqueue_dma source(%arg10 : memref<4096xf32, #tpu.memory_space<vmem>>) target(%dma_start3A_127 : memref<4096xf32, #tpu.memory_space<hbm>>) target_semaphore(%arg16 : memref<!tpu.dma_semaphore, #tpu.memory_space<semaphore_mem>>)
        %mul3A_128 = arith.constant 6 : i32
        %mul3A_129 = arith.muli %scan3A_96, %mul3A_128 : i32
        %add3A_130 = arith.constant 1 : i32
        %add3A_131 = arith.addi %mul3A_129, %add3A_130 : i32
        %ge3A_132 = arith.constant 2 : i32
        %ge3A_133 = arith.cmpi sge, %add3A_131, %ge3A_132 : i32
        %convert_element_type3A_134 = arith.extui %ge3A_133 : i1 to i32
        %cond3A_135 = arith.constant 0 : i32
        %cond3A_136 = arith.cmpi ne, %convert_element_type3A_134, %cond3A_135 : i32
        scf.if %cond3A_136 {
          %sub3A = arith.constant 2 : i32
          %sub3A_303 = arith.subi %add3A_131, %sub3A : i32
          %dma_wait3A_304 = arith.constant 0 : i32
          %dma_wait3A_305 = tpu.memref_slice %arg5[%sub3A_303, %add3A_9, %dma_wait3A_304] : memref<50x64x4096xf32, #tpu.memory_space<hbm>> -> memref<1x1x4096xf32, #tpu.memory_space<hbm>>
          %dma_wait3A_306 = tpu.memref_squeeze %dma_wait3A_305 : memref<1x1x4096xf32, #tpu.memory_space<hbm>> -> memref<4096xf32, #tpu.memory_space<hbm>>
          %dma_wait3A_307 = arith.constant 0 : i32
          %dma_wait3A_308 = tpu.memref_slice %arg5[%sub3A_303, %add3A_9, %dma_wait3A_307] : memref<50x64x4096xf32, #tpu.memory_space<hbm>> -> memref<1x1x4096xf32, #tpu.memory_space<hbm>>
          %dma_wait3A_309 = tpu.memref_squeeze %dma_wait3A_308 : memref<1x1x4096xf32, #tpu.memory_space<hbm>> -> memref<4096xf32, #tpu.memory_space<hbm>>
          tpu.wait_dma2 semaphore(%arg17 : memref<!tpu.dma_semaphore, #tpu.memory_space<semaphore_mem>>) src(%arg11 : memref<4096xf32, #tpu.memory_space<vmem>>) dst(%dma_wait3A_309 : memref<4096xf32, #tpu.memory_space<hbm>>)
        } else {
        }
        %dma_wait3A_137 = arith.constant 0 : i32
        %dma_wait3A_138 = arith.constant 0 : i32
        %dma_wait3A_139 = tpu.memref_slice %arg2[%dma_wait3A_137, %dma_wait3A_138] : memref<50x4096xi32, #tpu.memory_space<hbm>> -> memref<1x4096xi32, #tpu.memory_space<hbm>>
        %dma_wait3A_140 = tpu.memref_squeeze %dma_wait3A_139 : memref<1x4096xi32, #tpu.memory_space<hbm>> -> memref<4096xi32, #tpu.memory_space<hbm>>
        %dma_wait3A_141 = arith.constant 0 : i32
        %dma_wait3A_142 = tpu.memref_slice %arg2[%dma_wait3A_137, %dma_wait3A_141] : memref<50x4096xi32, #tpu.memory_space<hbm>> -> memref<1x4096xi32, #tpu.memory_space<hbm>>
        %dma_wait3A_143 = tpu.memref_squeeze %dma_wait3A_142 : memref<1x4096xi32, #tpu.memory_space<hbm>> -> memref<4096xi32, #tpu.memory_space<hbm>>
        tpu.wait_dma2 semaphore(%arg14 : memref<!tpu.dma_semaphore, #tpu.memory_space<semaphore_mem>>) src(%dma_wait3A_143 : memref<4096xi32, #tpu.memory_space<hbm>>) dst(%arg8 : memref<4096xi32, #tpu.memory_space<vmem>>)
        %add3A_144 = arith.constant 2 : i32
        %add3A_145 = arith.addi %add3A_131, %add3A_144 : i32
        %lt3A_146 = arith.constant 50 : i32
        %lt3A_147 = arith.cmpi slt, %add3A_145, %lt3A_146 : i32
        %convert_element_type3A_148 = arith.extui %lt3A_147 : i1 to i32
        %cond3A_149 = arith.constant 0 : i32
        %cond3A_150 = arith.cmpi ne, %convert_element_type3A_148, %cond3A_149 : i32
        scf.if %cond3A_150 {
          %add3A_303 = arith.constant 2 : i32
          %add3A_304 = arith.addi %add3A_131, %add3A_303 : i32
          %dma_start3A_305 = arith.constant 0 : i32
          %dma_start3A_306 = tpu.memref_slice %arg2[%add3A_304, %dma_start3A_305] : memref<50x4096xi32, #tpu.memory_space<hbm>> -> memref<1x4096xi32, #tpu.memory_space<hbm>>
          %dma_start3A_307 = tpu.memref_squeeze %dma_start3A_306 : memref<1x4096xi32, #tpu.memory_space<hbm>> -> memref<4096xi32, #tpu.memory_space<hbm>>
          %dma_start3A_308 = arith.constant 0 : i32
          %dma_start3A_309 = tpu.memref_slice %arg2[%add3A_304, %dma_start3A_308] : memref<50x4096xi32, #tpu.memory_space<hbm>> -> memref<1x4096xi32, #tpu.memory_space<hbm>>
          %dma_start3A_310 = tpu.memref_squeeze %dma_start3A_309 : memref<1x4096xi32, #tpu.memory_space<hbm>> -> memref<4096xi32, #tpu.memory_space<hbm>>
          tpu.enqueue_dma source(%dma_start3A_310 : memref<4096xi32, #tpu.memory_space<hbm>>) target(%arg7 : memref<4096xi32, #tpu.memory_space<vmem>>) target_semaphore(%arg13 : memref<!tpu.dma_semaphore, #tpu.memory_space<semaphore_mem>>)
        } else {
        }
        %get3A_151 = arith.index_cast %add3A_131 : i32 to index
        %get3A_152 = arith.constant 0 : index
        %get3A_153 = tpu.vector_load %arg12[%get3A_151, %get3A_152] {strides = array<i32>} : memref<50x16xf32, #tpu.memory_space<vmem>>, vector<16xf32>,
        %parallel_loop3A_154 = arith.constant 0 : i32
        %parallel_loop3A_155 = arith.constant 256 : i32
        %parallel_loop3A_156 = arith.constant 1 : i32
        scf.for %parallel_loop3A_303 = %parallel_loop3A_154 to %parallel_loop3A_155 step %parallel_loop3A_156  : i32 {
          %parallel_loop3A_304 = arith.constant 16 : i32
          %parallel_loop3A_305 = arith.muli %parallel_loop3A_303, %parallel_loop3A_304 : i32
          %parallel_loop3A_306 = arith.index_cast %parallel_loop3A_305 : i32 to index
          %parallel_loop3A_307 = tpu.vector_load %arg8[%parallel_loop3A_306] {strides = array<i32>} : memref<4096xi32, #tpu.memory_space<vmem>>, vector<16xi32>,
          %parallel_loop3A_308 = tpu.vector_load_idx %arg6[%parallel_loop3A_307] : memref<100000xf32, #tpu.memory_space<vmem>>[vector<16xi32>], vector<16xf32>,
          %parallel_loop3A_309 = arith.addf %parallel_loop3A_308, %get3A_153 : vector<16xf32>
          %parallel_loop3A_310 = arith.index_cast %parallel_loop3A_305 : i32 to index
          %parallel_loop3A_311 = tpu.vector_load %arg11[%parallel_loop3A_310] {strides = array<i32>} : memref<4096xf32, #tpu.memory_space<vmem>>, vector<16xf32>,
          tpu.vector_store %arg11[%parallel_loop3A_310], %parallel_loop3A_309 {strides = array<i32>} : memref<4096xf32, #tpu.memory_space<vmem>>, vector<16xf32>,
        } {sc.loop_unroll_factor = 8 : i64, sc.parallel_access}
        %dma_start3A_157 = arith.constant 0 : i32
        %dma_start3A_158 = tpu.memref_slice %arg5[%add3A_131, %add3A_9, %dma_start3A_157] : memref<50x64x4096xf32, #tpu.memory_space<hbm>> -> memref<1x1x4096xf32, #tpu.memory_space<hbm>>
        %dma_start3A_159 = tpu.memref_squeeze %dma_start3A_158 : memref<1x1x4096xf32, #tpu.memory_space<hbm>> -> memref<4096xf32, #tpu.memory_space<hbm>>
        %dma_start3A_160 = arith.constant 0 : i32
        %dma_start3A_161 = tpu.memref_slice %arg5[%add3A_131, %add3A_9, %dma_start3A_160] : memref<50x64x4096xf32, #tpu.memory_space<hbm>> -> memref<1x1x4096xf32, #tpu.memory_space<hbm>>
        %dma_start3A_162 = tpu.memref_squeeze %dma_start3A_161 : memref<1x1x4096xf32, #tpu.memory_space<hbm>> -> memref<4096xf32, #tpu.memory_space<hbm>>
        tpu.enqueue_dma source(%arg11 : memref<4096xf32, #tpu.memory_space<vmem>>) target(%dma_start3A_162 : memref<4096xf32, #tpu.memory_space<hbm>>) target_semaphore(%arg17 : memref<!tpu.dma_semaphore, #tpu.memory_space<semaphore_mem>>)
        %mul3A_163 = arith.constant 6 : i32
        %mul3A_164 = arith.muli %scan3A_96, %mul3A_163 : i32
        %add3A_165 = arith.constant 2 : i32
        %add3A_166 = arith.addi %mul3A_164, %add3A_165 : i32
        %ge3A_167 = arith.constant 2 : i32
        %ge3A_168 = arith.cmpi sge, %add3A_166, %ge3A_167 : i32
        %convert_element_type3A_169 = arith.extui %ge3A_168 : i1 to i32
        %cond3A_170 = arith.constant 0 : i32
        %cond3A_171 = arith.cmpi ne, %convert_element_type3A_169, %cond3A_170 : i32
        scf.if %cond3A_171 {
          %sub3A = arith.constant 2 : i32
          %sub3A_303 = arith.subi %add3A_166, %sub3A : i32
          %dma_wait3A_304 = arith.constant 0 : i32
          %dma_wait3A_305 = tpu.memref_slice %arg5[%sub3A_303, %add3A_9, %dma_wait3A_304] : memref<50x64x4096xf32, #tpu.memory_space<hbm>> -> memref<1x1x4096xf32, #tpu.memory_space<hbm>>
          %dma_wait3A_306 = tpu.memref_squeeze %dma_wait3A_305 : memref<1x1x4096xf32, #tpu.memory_space<hbm>> -> memref<4096xf32, #tpu.memory_space<hbm>>
          %dma_wait3A_307 = arith.constant 0 : i32
          %dma_wait3A_308 = tpu.memref_slice %arg5[%sub3A_303, %add3A_9, %dma_wait3A_307] : memref<50x64x4096xf32, #tpu.memory_space<hbm>> -> memref<1x1x4096xf32, #tpu.memory_space<hbm>>
          %dma_wait3A_309 = tpu.memref_squeeze %dma_wait3A_308 : memref<1x1x4096xf32, #tpu.memory_space<hbm>> -> memref<4096xf32, #tpu.memory_space<hbm>>
          tpu.wait_dma2 semaphore(%arg16 : memref<!tpu.dma_semaphore, #tpu.memory_space<semaphore_mem>>) src(%arg10 : memref<4096xf32, #tpu.memory_space<vmem>>) dst(%dma_wait3A_309 : memref<4096xf32, #tpu.memory_space<hbm>>)
        } else {
        }
        %dma_wait3A_172 = arith.constant 0 : i32
        %dma_wait3A_173 = arith.constant 0 : i32
        %dma_wait3A_174 = tpu.memref_slice %arg2[%dma_wait3A_172, %dma_wait3A_173] : memref<50x4096xi32, #tpu.memory_space<hbm>> -> memref<1x4096xi32, #tpu.memory_space<hbm>>
        %dma_wait3A_175 = tpu.memref_squeeze %dma_wait3A_174 : memref<1x4096xi32, #tpu.memory_space<hbm>> -> memref<4096xi32, #tpu.memory_space<hbm>>
        %dma_wait3A_176 = arith.constant 0 : i32
        %dma_wait3A_177 = tpu.memref_slice %arg2[%dma_wait3A_172, %dma_wait3A_176] : memref<50x4096xi32, #tpu.memory_space<hbm>> -> memref<1x4096xi32, #tpu.memory_space<hbm>>
        %dma_wait3A_178 = tpu.memref_squeeze %dma_wait3A_177 : memref<1x4096xi32, #tpu.memory_space<hbm>> -> memref<4096xi32, #tpu.memory_space<hbm>>
        tpu.wait_dma2 semaphore(%arg15 : memref<!tpu.dma_semaphore, #tpu.memory_space<semaphore_mem>>) src(%dma_wait3A_178 : memref<4096xi32, #tpu.memory_space<hbm>>) dst(%arg9 : memref<4096xi32, #tpu.memory_space<vmem>>)
        %add3A_179 = arith.constant 2 : i32
        %add3A_180 = arith.addi %add3A_166, %add3A_179 : i32
        %lt3A_181 = arith.constant 50 : i32
        %lt3A_182 = arith.cmpi slt, %add3A_180, %lt3A_181 : i32
        %convert_element_type3A_183 = arith.extui %lt3A_182 : i1 to i32
        %cond3A_184 = arith.constant 0 : i32
        %cond3A_185 = arith.cmpi ne, %convert_element_type3A_183, %cond3A_184 : i32
        scf.if %cond3A_185 {
          %add3A_303 = arith.constant 2 : i32
          %add3A_304 = arith.addi %add3A_166, %add3A_303 : i32
          %dma_start3A_305 = arith.constant 0 : i32
          %dma_start3A_306 = tpu.memref_slice %arg2[%add3A_304, %dma_start3A_305] : memref<50x4096xi32, #tpu.memory_space<hbm>> -> memref<1x4096xi32, #tpu.memory_space<hbm>>
          %dma_start3A_307 = tpu.memref_squeeze %dma_start3A_306 : memref<1x4096xi32, #tpu.memory_space<hbm>> -> memref<4096xi32, #tpu.memory_space<hbm>>
          %dma_start3A_308 = arith.constant 0 : i32
          %dma_start3A_309 = tpu.memref_slice %arg2[%add3A_304, %dma_start3A_308] : memref<50x4096xi32, #tpu.memory_space<hbm>> -> memref<1x4096xi32, #tpu.memory_space<hbm>>
          %dma_start3A_310 = tpu.memref_squeeze %dma_start3A_309 : memref<1x4096xi32, #tpu.memory_space<hbm>> -> memref<4096xi32, #tpu.memory_space<hbm>>
          tpu.enqueue_dma source(%dma_start3A_310 : memref<4096xi32, #tpu.memory_space<hbm>>) target(%arg8 : memref<4096xi32, #tpu.memory_space<vmem>>) target_semaphore(%arg14 : memref<!tpu.dma_semaphore, #tpu.memory_space<semaphore_mem>>)
        } else {
        }
        %get3A_186 = arith.index_cast %add3A_166 : i32 to index
        %get3A_187 = arith.constant 0 : index
        %get3A_188 = tpu.vector_load %arg12[%get3A_186, %get3A_187] {strides = array<i32>} : memref<50x16xf32, #tpu.memory_space<vmem>>, vector<16xf32>,
        %parallel_loop3A_189 = arith.constant 0 : i32
        %parallel_loop3A_190 = arith.constant 256 : i32
        %parallel_loop3A_191 = arith.constant 1 : i32
        scf.for %parallel_loop3A_303 = %parallel_loop3A_189 to %parallel_loop3A_190 step %parallel_loop3A_191  : i32 {
          %parallel_loop3A_304 = arith.constant 16 : i32
          %parallel_loop3A_305 = arith.muli %parallel_loop3A_303, %parallel_loop3A_304 : i32
          %parallel_loop3A_306 = arith.index_cast %parallel_loop3A_305 : i32 to index
          %parallel_loop3A_307 = tpu.vector_load %arg9[%parallel_loop3A_306] {strides = array<i32>} : memref<4096xi32, #tpu.memory_space<vmem>>, vector<16xi32>,
          %parallel_loop3A_308 = tpu.vector_load_idx %arg6[%parallel_loop3A_307] : memref<100000xf32, #tpu.memory_space<vmem>>[vector<16xi32>], vector<16xf32>,
          %parallel_loop3A_309 = arith.addf %parallel_loop3A_308, %get3A_188 : vector<16xf32>
          %parallel_loop3A_310 = arith.index_cast %parallel_loop3A_305 : i32 to index
          %parallel_loop3A_311 = tpu.vector_load %arg10[%parallel_loop3A_310] {strides = array<i32>} : memref<4096xf32, #tpu.memory_space<vmem>>, vector<16xf32>,
          tpu.vector_store %arg10[%parallel_loop3A_310], %parallel_loop3A_309 {strides = array<i32>} : memref<4096xf32, #tpu.memory_space<vmem>>, vector<16xf32>,
        } {sc.loop_unroll_factor = 8 : i64, sc.parallel_access}
        %dma_start3A_192 = arith.constant 0 : i32
        %dma_start3A_193 = tpu.memref_slice %arg5[%add3A_166, %add3A_9, %dma_start3A_192] : memref<50x64x4096xf32, #tpu.memory_space<hbm>> -> memref<1x1x4096xf32, #tpu.memory_space<hbm>>
        %dma_start3A_194 = tpu.memref_squeeze %dma_start3A_193 : memref<1x1x4096xf32, #tpu.memory_space<hbm>> -> memref<4096xf32, #tpu.memory_space<hbm>>
        %dma_start3A_195 = arith.constant 0 : i32
        %dma_start3A_196 = tpu.memref_slice %arg5[%add3A_166, %add3A_9, %dma_start3A_195] : memref<50x64x4096xf32, #tpu.memory_space<hbm>> -> memref<1x1x4096xf32, #tpu.memory_space<hbm>>
        %dma_start3A_197 = tpu.memref_squeeze %dma_start3A_196 : memref<1x1x4096xf32, #tpu.memory_space<hbm>> -> memref<4096xf32, #tpu.memory_space<hbm>>
        tpu.enqueue_dma source(%arg10 : memref<4096xf32, #tpu.memory_space<vmem>>) target(%dma_start3A_197 : memref<4096xf32, #tpu.memory_space<hbm>>) target_semaphore(%arg16 : memref<!tpu.dma_semaphore, #tpu.memory_space<semaphore_mem>>)
        %mul3A_198 = arith.constant 6 : i32
        %mul3A_199 = arith.muli %scan3A_96, %mul3A_198 : i32
        %add3A_200 = arith.constant 3 : i32
        %add3A_201 = arith.addi %mul3A_199, %add3A_200 : i32
        %ge3A_202 = arith.constant 2 : i32
        %ge3A_203 = arith.cmpi sge, %add3A_201, %ge3A_202 : i32
        %convert_element_type3A_204 = arith.extui %ge3A_203 : i1 to i32
        %cond3A_205 = arith.constant 0 : i32
        %cond3A_206 = arith.cmpi ne, %convert_element_type3A_204, %cond3A_205 : i32
        scf.if %cond3A_206 {
          %sub3A = arith.constant 2 : i32
          %sub3A_303 = arith.subi %add3A_201, %sub3A : i32
          %dma_wait3A_304 = arith.constant 0 : i32
          %dma_wait3A_305 = tpu.memref_slice %arg5[%sub3A_303, %add3A_9, %dma_wait3A_304] : memref<50x64x4096xf32, #tpu.memory_space<hbm>> -> memref<1x1x4096xf32, #tpu.memory_space<hbm>>
          %dma_wait3A_306 = tpu.memref_squeeze %dma_wait3A_305 : memref<1x1x4096xf32, #tpu.memory_space<hbm>> -> memref<4096xf32, #tpu.memory_space<hbm>>
          %dma_wait3A_307 = arith.constant 0 : i32
          %dma_wait3A_308 = tpu.memref_slice %arg5[%sub3A_303, %add3A_9, %dma_wait3A_307] : memref<50x64x4096xf32, #tpu.memory_space<hbm>> -> memref<1x1x4096xf32, #tpu.memory_space<hbm>>
          %dma_wait3A_309 = tpu.memref_squeeze %dma_wait3A_308 : memref<1x1x4096xf32, #tpu.memory_space<hbm>> -> memref<4096xf32, #tpu.memory_space<hbm>>
          tpu.wait_dma2 semaphore(%arg17 : memref<!tpu.dma_semaphore, #tpu.memory_space<semaphore_mem>>) src(%arg11 : memref<4096xf32, #tpu.memory_space<vmem>>) dst(%dma_wait3A_309 : memref<4096xf32, #tpu.memory_space<hbm>>)
        } else {
        }
        %dma_wait3A_207 = arith.constant 0 : i32
        %dma_wait3A_208 = arith.constant 0 : i32
        %dma_wait3A_209 = tpu.memref_slice %arg2[%dma_wait3A_207, %dma_wait3A_208] : memref<50x4096xi32, #tpu.memory_space<hbm>> -> memref<1x4096xi32, #tpu.memory_space<hbm>>
        %dma_wait3A_210 = tpu.memref_squeeze %dma_wait3A_209 : memref<1x4096xi32, #tpu.memory_space<hbm>> -> memref<4096xi32, #tpu.memory_space<hbm>>
        %dma_wait3A_211 = arith.constant 0 : i32
        %dma_wait3A_212 = tpu.memref_slice %arg2[%dma_wait3A_207, %dma_wait3A_211] : memref<50x4096xi32, #tpu.memory_space<hbm>> -> memref<1x4096xi32, #tpu.memory_space<hbm>>
        %dma_wait3A_213 = tpu.memref_squeeze %dma_wait3A_212 : memref<1x4096xi32, #tpu.memory_space<hbm>> -> memref<4096xi32, #tpu.memory_space<hbm>>
        tpu.wait_dma2 semaphore(%arg13 : memref<!tpu.dma_semaphore, #tpu.memory_space<semaphore_mem>>) src(%dma_wait3A_213 : memref<4096xi32, #tpu.memory_space<hbm>>) dst(%arg7 : memref<4096xi32, #tpu.memory_space<vmem>>)
        %add3A_214 = arith.constant 2 : i32
        %add3A_215 = arith.addi %add3A_201, %add3A_214 : i32
        %lt3A_216 = arith.constant 50 : i32
        %lt3A_217 = arith.cmpi slt, %add3A_215, %lt3A_216 : i32
        %convert_element_type3A_218 = arith.extui %lt3A_217 : i1 to i32
        %cond3A_219 = arith.constant 0 : i32
        %cond3A_220 = arith.cmpi ne, %convert_element_type3A_218, %cond3A_219 : i32
        scf.if %cond3A_220 {
          %add3A_303 = arith.constant 2 : i32
          %add3A_304 = arith.addi %add3A_201, %add3A_303 : i32
          %dma_start3A_305 = arith.constant 0 : i32
          %dma_start3A_306 = tpu.memref_slice %arg2[%add3A_304, %dma_start3A_305] : memref<50x4096xi32, #tpu.memory_space<hbm>> -> memref<1x4096xi32, #tpu.memory_space<hbm>>
          %dma_start3A_307 = tpu.memref_squeeze %dma_start3A_306 : memref<1x4096xi32, #tpu.memory_space<hbm>> -> memref<4096xi32, #tpu.memory_space<hbm>>
          %dma_start3A_308 = arith.constant 0 : i32
          %dma_start3A_309 = tpu.memref_slice %arg2[%add3A_304, %dma_start3A_308] : memref<50x4096xi32, #tpu.memory_space<hbm>> -> memref<1x4096xi32, #tpu.memory_space<hbm>>
          %dma_start3A_310 = tpu.memref_squeeze %dma_start3A_309 : memref<1x4096xi32, #tpu.memory_space<hbm>> -> memref<4096xi32, #tpu.memory_space<hbm>>
          tpu.enqueue_dma source(%dma_start3A_310 : memref<4096xi32, #tpu.memory_space<hbm>>) target(%arg9 : memref<4096xi32, #tpu.memory_space<vmem>>) target_semaphore(%arg15 : memref<!tpu.dma_semaphore, #tpu.memory_space<semaphore_mem>>)
        } else {
        }
        %get3A_221 = arith.index_cast %add3A_201 : i32 to index
        %get3A_222 = arith.constant 0 : index
        %get3A_223 = tpu.vector_load %arg12[%get3A_221, %get3A_222] {strides = array<i32>} : memref<50x16xf32, #tpu.memory_space<vmem>>, vector<16xf32>,
        %parallel_loop3A_224 = arith.constant 0 : i32
        %parallel_loop3A_225 = arith.constant 256 : i32
        %parallel_loop3A_226 = arith.constant 1 : i32
        scf.for %parallel_loop3A_303 = %parallel_loop3A_224 to %parallel_loop3A_225 step %parallel_loop3A_226  : i32 {
          %parallel_loop3A_304 = arith.constant 16 : i32
          %parallel_loop3A_305 = arith.muli %parallel_loop3A_303, %parallel_loop3A_304 : i32
          %parallel_loop3A_306 = arith.index_cast %parallel_loop3A_305 : i32 to index
          %parallel_loop3A_307 = tpu.vector_load %arg7[%parallel_loop3A_306] {strides = array<i32>} : memref<4096xi32, #tpu.memory_space<vmem>>, vector<16xi32>,
          %parallel_loop3A_308 = tpu.vector_load_idx %arg6[%parallel_loop3A_307] : memref<100000xf32, #tpu.memory_space<vmem>>[vector<16xi32>], vector<16xf32>,
          %parallel_loop3A_309 = arith.addf %parallel_loop3A_308, %get3A_223 : vector<16xf32>
          %parallel_loop3A_310 = arith.index_cast %parallel_loop3A_305 : i32 to index
          %parallel_loop3A_311 = tpu.vector_load %arg11[%parallel_loop3A_310] {strides = array<i32>} : memref<4096xf32, #tpu.memory_space<vmem>>, vector<16xf32>,
          tpu.vector_store %arg11[%parallel_loop3A_310], %parallel_loop3A_309 {strides = array<i32>} : memref<4096xf32, #tpu.memory_space<vmem>>, vector<16xf32>,
        } {sc.loop_unroll_factor = 8 : i64, sc.parallel_access}
        %dma_start3A_227 = arith.constant 0 : i32
        %dma_start3A_228 = tpu.memref_slice %arg5[%add3A_201, %add3A_9, %dma_start3A_227] : memref<50x64x4096xf32, #tpu.memory_space<hbm>> -> memref<1x1x4096xf32, #tpu.memory_space<hbm>>
        %dma_start3A_229 = tpu.memref_squeeze %dma_start3A_228 : memref<1x1x4096xf32, #tpu.memory_space<hbm>> -> memref<4096xf32, #tpu.memory_space<hbm>>
        %dma_start3A_230 = arith.constant 0 : i32
        %dma_start3A_231 = tpu.memref_slice %arg5[%add3A_201, %add3A_9, %dma_start3A_230] : memref<50x64x4096xf32, #tpu.memory_space<hbm>> -> memref<1x1x4096xf32, #tpu.memory_space<hbm>>
        %dma_start3A_232 = tpu.memref_squeeze %dma_start3A_231 : memref<1x1x4096xf32, #tpu.memory_space<hbm>> -> memref<4096xf32, #tpu.memory_space<hbm>>
        tpu.enqueue_dma source(%arg11 : memref<4096xf32, #tpu.memory_space<vmem>>) target(%dma_start3A_232 : memref<4096xf32, #tpu.memory_space<hbm>>) target_semaphore(%arg17 : memref<!tpu.dma_semaphore, #tpu.memory_space<semaphore_mem>>)
        %mul3A_233 = arith.constant 6 : i32
        %mul3A_234 = arith.muli %scan3A_96, %mul3A_233 : i32
        %add3A_235 = arith.constant 4 : i32
        %add3A_236 = arith.addi %mul3A_234, %add3A_235 : i32
        %ge3A_237 = arith.constant 2 : i32
        %ge3A_238 = arith.cmpi sge, %add3A_236, %ge3A_237 : i32
        %convert_element_type3A_239 = arith.extui %ge3A_238 : i1 to i32
        %cond3A_240 = arith.constant 0 : i32
        %cond3A_241 = arith.cmpi ne, %convert_element_type3A_239, %cond3A_240 : i32
        scf.if %cond3A_241 {
          %sub3A = arith.constant 2 : i32
          %sub3A_303 = arith.subi %add3A_236, %sub3A : i32
          %dma_wait3A_304 = arith.constant 0 : i32
          %dma_wait3A_305 = tpu.memref_slice %arg5[%sub3A_303, %add3A_9, %dma_wait3A_304] : memref<50x64x4096xf32, #tpu.memory_space<hbm>> -> memref<1x1x4096xf32, #tpu.memory_space<hbm>>
          %dma_wait3A_306 = tpu.memref_squeeze %dma_wait3A_305 : memref<1x1x4096xf32, #tpu.memory_space<hbm>> -> memref<4096xf32, #tpu.memory_space<hbm>>
          %dma_wait3A_307 = arith.constant 0 : i32
          %dma_wait3A_308 = tpu.memref_slice %arg5[%sub3A_303, %add3A_9, %dma_wait3A_307] : memref<50x64x4096xf32, #tpu.memory_space<hbm>> -> memref<1x1x4096xf32, #tpu.memory_space<hbm>>
          %dma_wait3A_309 = tpu.memref_squeeze %dma_wait3A_308 : memref<1x1x4096xf32, #tpu.memory_space<hbm>> -> memref<4096xf32, #tpu.memory_space<hbm>>
          tpu.wait_dma2 semaphore(%arg16 : memref<!tpu.dma_semaphore, #tpu.memory_space<semaphore_mem>>) src(%arg10 : memref<4096xf32, #tpu.memory_space<vmem>>) dst(%dma_wait3A_309 : memref<4096xf32, #tpu.memory_space<hbm>>)
        } else {
        }
        %dma_wait3A_242 = arith.constant 0 : i32
        %dma_wait3A_243 = arith.constant 0 : i32
        %dma_wait3A_244 = tpu.memref_slice %arg2[%dma_wait3A_242, %dma_wait3A_243] : memref<50x4096xi32, #tpu.memory_space<hbm>> -> memref<1x4096xi32, #tpu.memory_space<hbm>>
        %dma_wait3A_245 = tpu.memref_squeeze %dma_wait3A_244 : memref<1x4096xi32, #tpu.memory_space<hbm>> -> memref<4096xi32, #tpu.memory_space<hbm>>
        %dma_wait3A_246 = arith.constant 0 : i32
        %dma_wait3A_247 = tpu.memref_slice %arg2[%dma_wait3A_242, %dma_wait3A_246] : memref<50x4096xi32, #tpu.memory_space<hbm>> -> memref<1x4096xi32, #tpu.memory_space<hbm>>
        %dma_wait3A_248 = tpu.memref_squeeze %dma_wait3A_247 : memref<1x4096xi32, #tpu.memory_space<hbm>> -> memref<4096xi32, #tpu.memory_space<hbm>>
        tpu.wait_dma2 semaphore(%arg14 : memref<!tpu.dma_semaphore, #tpu.memory_space<semaphore_mem>>) src(%dma_wait3A_248 : memref<4096xi32, #tpu.memory_space<hbm>>) dst(%arg8 : memref<4096xi32, #tpu.memory_space<vmem>>)
        %add3A_249 = arith.constant 2 : i32
        %add3A_250 = arith.addi %add3A_236, %add3A_249 : i32
        %lt3A_251 = arith.constant 50 : i32
        %lt3A_252 = arith.cmpi slt, %add3A_250, %lt3A_251 : i32
        %convert_element_type3A_253 = arith.extui %lt3A_252 : i1 to i32
        %cond3A_254 = arith.constant 0 : i32
        %cond3A_255 = arith.cmpi ne, %convert_element_type3A_253, %cond3A_254 : i32
        scf.if %cond3A_255 {
          %add3A_303 = arith.constant 2 : i32
          %add3A_304 = arith.addi %add3A_236, %add3A_303 : i32
          %dma_start3A_305 = arith.constant 0 : i32
          %dma_start3A_306 = tpu.memref_slice %arg2[%add3A_304, %dma_start3A_305] : memref<50x4096xi32, #tpu.memory_space<hbm>> -> memref<1x4096xi32, #tpu.memory_space<hbm>>
          %dma_start3A_307 = tpu.memref_squeeze %dma_start3A_306 : memref<1x4096xi32, #tpu.memory_space<hbm>> -> memref<4096xi32, #tpu.memory_space<hbm>>
          %dma_start3A_308 = arith.constant 0 : i32
          %dma_start3A_309 = tpu.memref_slice %arg2[%add3A_304, %dma_start3A_308] : memref<50x4096xi32, #tpu.memory_space<hbm>> -> memref<1x4096xi32, #tpu.memory_space<hbm>>
          %dma_start3A_310 = tpu.memref_squeeze %dma_start3A_309 : memref<1x4096xi32, #tpu.memory_space<hbm>> -> memref<4096xi32, #tpu.memory_space<hbm>>
          tpu.enqueue_dma source(%dma_start3A_310 : memref<4096xi32, #tpu.memory_space<hbm>>) target(%arg7 : memref<4096xi32, #tpu.memory_space<vmem>>) target_semaphore(%arg13 : memref<!tpu.dma_semaphore, #tpu.memory_space<semaphore_mem>>)
        } else {
        }
        %get3A_256 = arith.index_cast %add3A_236 : i32 to index
        %get3A_257 = arith.constant 0 : index
        %get3A_258 = tpu.vector_load %arg12[%get3A_256, %get3A_257] {strides = array<i32>} : memref<50x16xf32, #tpu.memory_space<vmem>>, vector<16xf32>,
        %parallel_loop3A_259 = arith.constant 0 : i32
        %parallel_loop3A_260 = arith.constant 256 : i32
        %parallel_loop3A_261 = arith.constant 1 : i32
        scf.for %parallel_loop3A_303 = %parallel_loop3A_259 to %parallel_loop3A_260 step %parallel_loop3A_261  : i32 {
          %parallel_loop3A_304 = arith.constant 16 : i32
          %parallel_loop3A_305 = arith.muli %parallel_loop3A_303, %parallel_loop3A_304 : i32
          %parallel_loop3A_306 = arith.index_cast %parallel_loop3A_305 : i32 to index
          %parallel_loop3A_307 = tpu.vector_load %arg8[%parallel_loop3A_306] {strides = array<i32>} : memref<4096xi32, #tpu.memory_space<vmem>>, vector<16xi32>,
          %parallel_loop3A_308 = tpu.vector_load_idx %arg6[%parallel_loop3A_307] : memref<100000xf32, #tpu.memory_space<vmem>>[vector<16xi32>], vector<16xf32>,
          %parallel_loop3A_309 = arith.addf %parallel_loop3A_308, %get3A_258 : vector<16xf32>
          %parallel_loop3A_310 = arith.index_cast %parallel_loop3A_305 : i32 to index
          %parallel_loop3A_311 = tpu.vector_load %arg10[%parallel_loop3A_310] {strides = array<i32>} : memref<4096xf32, #tpu.memory_space<vmem>>, vector<16xf32>,
          tpu.vector_store %arg10[%parallel_loop3A_310], %parallel_loop3A_309 {strides = array<i32>} : memref<4096xf32, #tpu.memory_space<vmem>>, vector<16xf32>,
        } {sc.loop_unroll_factor = 8 : i64, sc.parallel_access}
        %dma_start3A_262 = arith.constant 0 : i32
        %dma_start3A_263 = tpu.memref_slice %arg5[%add3A_236, %add3A_9, %dma_start3A_262] : memref<50x64x4096xf32, #tpu.memory_space<hbm>> -> memref<1x1x4096xf32, #tpu.memory_space<hbm>>
        %dma_start3A_264 = tpu.memref_squeeze %dma_start3A_263 : memref<1x1x4096xf32, #tpu.memory_space<hbm>> -> memref<4096xf32, #tpu.memory_space<hbm>>
        %dma_start3A_265 = arith.constant 0 : i32
        %dma_start3A_266 = tpu.memref_slice %arg5[%add3A_236, %add3A_9, %dma_start3A_265] : memref<50x64x4096xf32, #tpu.memory_space<hbm>> -> memref<1x1x4096xf32, #tpu.memory_space<hbm>>
        %dma_start3A_267 = tpu.memref_squeeze %dma_start3A_266 : memref<1x1x4096xf32, #tpu.memory_space<hbm>> -> memref<4096xf32, #tpu.memory_space<hbm>>
        tpu.enqueue_dma source(%arg10 : memref<4096xf32, #tpu.memory_space<vmem>>) target(%dma_start3A_267 : memref<4096xf32, #tpu.memory_space<hbm>>) target_semaphore(%arg16 : memref<!tpu.dma_semaphore, #tpu.memory_space<semaphore_mem>>)
        %mul3A_268 = arith.constant 6 : i32
        %mul3A_269 = arith.muli %scan3A_96, %mul3A_268 : i32
        %add3A_270 = arith.constant 5 : i32
        %add3A_271 = arith.addi %mul3A_269, %add3A_270 : i32
        %ge3A_272 = arith.constant 2 : i32
        %ge3A_273 = arith.cmpi sge, %add3A_271, %ge3A_272 : i32
        %convert_element_type3A_274 = arith.extui %ge3A_273 : i1 to i32
        %cond3A_275 = arith.constant 0 : i32
        %cond3A_276 = arith.cmpi ne, %convert_element_type3A_274, %cond3A_275 : i32
        scf.if %cond3A_276 {
          %sub3A = arith.constant 2 : i32
          %sub3A_303 = arith.subi %add3A_271, %sub3A : i32
          %dma_wait3A_304 = arith.constant 0 : i32
          %dma_wait3A_305 = tpu.memref_slice %arg5[%sub3A_303, %add3A_9, %dma_wait3A_304] : memref<50x64x4096xf32, #tpu.memory_space<hbm>> -> memref<1x1x4096xf32, #tpu.memory_space<hbm>>
          %dma_wait3A_306 = tpu.memref_squeeze %dma_wait3A_305 : memref<1x1x4096xf32, #tpu.memory_space<hbm>> -> memref<4096xf32, #tpu.memory_space<hbm>>
          %dma_wait3A_307 = arith.constant 0 : i32
          %dma_wait3A_308 = tpu.memref_slice %arg5[%sub3A_303, %add3A_9, %dma_wait3A_307] : memref<50x64x4096xf32, #tpu.memory_space<hbm>> -> memref<1x1x4096xf32, #tpu.memory_space<hbm>>
          %dma_wait3A_309 = tpu.memref_squeeze %dma_wait3A_308 : memref<1x1x4096xf32, #tpu.memory_space<hbm>> -> memref<4096xf32, #tpu.memory_space<hbm>>
          tpu.wait_dma2 semaphore(%arg17 : memref<!tpu.dma_semaphore, #tpu.memory_space<semaphore_mem>>) src(%arg11 : memref<4096xf32, #tpu.memory_space<vmem>>) dst(%dma_wait3A_309 : memref<4096xf32, #tpu.memory_space<hbm>>)
        } else {
        }
        %dma_wait3A_277 = arith.constant 0 : i32
        %dma_wait3A_278 = arith.constant 0 : i32
        %dma_wait3A_279 = tpu.memref_slice %arg2[%dma_wait3A_277, %dma_wait3A_278] : memref<50x4096xi32, #tpu.memory_space<hbm>> -> memref<1x4096xi32, #tpu.memory_space<hbm>>
        %dma_wait3A_280 = tpu.memref_squeeze %dma_wait3A_279 : memref<1x4096xi32, #tpu.memory_space<hbm>> -> memref<4096xi32, #tpu.memory_space<hbm>>
        %dma_wait3A_281 = arith.constant 0 : i32
        %dma_wait3A_282 = tpu.memref_slice %arg2[%dma_wait3A_277, %dma_wait3A_281] : memref<50x4096xi32, #tpu.memory_space<hbm>> -> memref<1x4096xi32, #tpu.memory_space<hbm>>
        %dma_wait3A_283 = tpu.memref_squeeze %dma_wait3A_282 : memref<1x4096xi32, #tpu.memory_space<hbm>> -> memref<4096xi32, #tpu.memory_space<hbm>>
        tpu.wait_dma2 semaphore(%arg15 : memref<!tpu.dma_semaphore, #tpu.memory_space<semaphore_mem>>) src(%dma_wait3A_283 : memref<4096xi32, #tpu.memory_space<hbm>>) dst(%arg9 : memref<4096xi32, #tpu.memory_space<vmem>>)
        %add3A_284 = arith.constant 2 : i32
        %add3A_285 = arith.addi %add3A_271, %add3A_284 : i32
        %lt3A_286 = arith.constant 50 : i32
        %lt3A_287 = arith.cmpi slt, %add3A_285, %lt3A_286 : i32
        %convert_element_type3A_288 = arith.extui %lt3A_287 : i1 to i32
        %cond3A_289 = arith.constant 0 : i32
        %cond3A_290 = arith.cmpi ne, %convert_element_type3A_288, %cond3A_289 : i32
        scf.if %cond3A_290 {
          %add3A_303 = arith.constant 2 : i32
          %add3A_304 = arith.addi %add3A_271, %add3A_303 : i32
          %dma_start3A_305 = arith.constant 0 : i32
          %dma_start3A_306 = tpu.memref_slice %arg2[%add3A_304, %dma_start3A_305] : memref<50x4096xi32, #tpu.memory_space<hbm>> -> memref<1x4096xi32, #tpu.memory_space<hbm>>
          %dma_start3A_307 = tpu.memref_squeeze %dma_start3A_306 : memref<1x4096xi32, #tpu.memory_space<hbm>> -> memref<4096xi32, #tpu.memory_space<hbm>>
          %dma_start3A_308 = arith.constant 0 : i32
          %dma_start3A_309 = tpu.memref_slice %arg2[%add3A_304, %dma_start3A_308] : memref<50x4096xi32, #tpu.memory_space<hbm>> -> memref<1x4096xi32, #tpu.memory_space<hbm>>
          %dma_start3A_310 = tpu.memref_squeeze %dma_start3A_309 : memref<1x4096xi32, #tpu.memory_space<hbm>> -> memref<4096xi32, #tpu.memory_space<hbm>>
          tpu.enqueue_dma source(%dma_start3A_310 : memref<4096xi32, #tpu.memory_space<hbm>>) target(%arg8 : memref<4096xi32, #tpu.memory_space<vmem>>) target_semaphore(%arg14 : memref<!tpu.dma_semaphore, #tpu.memory_space<semaphore_mem>>)
        } else {
        }
        %get3A_291 = arith.index_cast %add3A_271 : i32 to index
        %get3A_292 = arith.constant 0 : index
        %get3A_293 = tpu.vector_load %arg12[%get3A_291, %get3A_292] {strides = array<i32>} : memref<50x16xf32, #tpu.memory_space<vmem>>, vector<16xf32>,
        %parallel_loop3A_294 = arith.constant 0 : i32
        %parallel_loop3A_295 = arith.constant 256 : i32
        %parallel_loop3A_296 = arith.constant 1 : i32
        scf.for %parallel_loop3A_303 = %parallel_loop3A_294 to %parallel_loop3A_295 step %parallel_loop3A_296  : i32 {
          %parallel_loop3A_304 = arith.constant 16 : i32
          %parallel_loop3A_305 = arith.muli %parallel_loop3A_303, %parallel_loop3A_304 : i32
          %parallel_loop3A_306 = arith.index_cast %parallel_loop3A_305 : i32 to index
          %parallel_loop3A_307 = tpu.vector_load %arg9[%parallel_loop3A_306] {strides = array<i32>} : memref<4096xi32, #tpu.memory_space<vmem>>, vector<16xi32>,
          %parallel_loop3A_308 = tpu.vector_load_idx %arg6[%parallel_loop3A_307] : memref<100000xf32, #tpu.memory_space<vmem>>[vector<16xi32>], vector<16xf32>,
          %parallel_loop3A_309 = arith.addf %parallel_loop3A_308, %get3A_293 : vector<16xf32>
          %parallel_loop3A_310 = arith.index_cast %parallel_loop3A_305 : i32 to index
          %parallel_loop3A_311 = tpu.vector_load %arg11[%parallel_loop3A_310] {strides = array<i32>} : memref<4096xf32, #tpu.memory_space<vmem>>, vector<16xf32>,
          tpu.vector_store %arg11[%parallel_loop3A_310], %parallel_loop3A_309 {strides = array<i32>} : memref<4096xf32, #tpu.memory_space<vmem>>, vector<16xf32>,
        } {sc.loop_unroll_factor = 8 : i64, sc.parallel_access}
        %dma_start3A_297 = arith.constant 0 : i32
        %dma_start3A_298 = tpu.memref_slice %arg5[%add3A_271, %add3A_9, %dma_start3A_297] : memref<50x64x4096xf32, #tpu.memory_space<hbm>> -> memref<1x1x4096xf32, #tpu.memory_space<hbm>>
        %dma_start3A_299 = tpu.memref_squeeze %dma_start3A_298 : memref<1x1x4096xf32, #tpu.memory_space<hbm>> -> memref<4096xf32, #tpu.memory_space<hbm>>
        %dma_start3A_300 = arith.constant 0 : i32
        %dma_start3A_301 = tpu.memref_slice %arg5[%add3A_271, %add3A_9, %dma_start3A_300] : memref<50x64x4096xf32, #tpu.memory_space<hbm>> -> memref<1x1x4096xf32, #tpu.memory_space<hbm>>
        %dma_start3A_302 = tpu.memref_squeeze %dma_start3A_301 : memref<1x1x4096xf32, #tpu.memory_space<hbm>> -> memref<4096xf32, #tpu.memory_space<hbm>>
        tpu.enqueue_dma source(%arg11 : memref<4096xf32, #tpu.memory_space<vmem>>) target(%dma_start3A_302 : memref<4096xf32, #tpu.memory_space<hbm>>) target_semaphore(%arg17 : memref<!tpu.dma_semaphore, #tpu.memory_space<semaphore_mem>>)
      }
      %scan3A_28 = arith.constant 8 : i32
      %dma_wait3A = arith.constant 46 : i32
      %dma_wait3A_29 = arith.constant 0 : i32
      %dma_wait3A_30 = tpu.memref_slice %arg5[%dma_wait3A, %add3A_9, %dma_wait3A_29] : memref<50x64x4096xf32, #tpu.memory_space<hbm>> -> memref<1x1x4096xf32, #tpu.memory_space<hbm>>
      %dma_wait3A_31 = tpu.memref_squeeze %dma_wait3A_30 : memref<1x1x4096xf32, #tpu.memory_space<hbm>> -> memref<4096xf32, #tpu.memory_space<hbm>>
      %dma_wait3A_32 = arith.constant 0 : i32
      %dma_wait3A_33 = tpu.memref_slice %arg5[%dma_wait3A, %add3A_9, %dma_wait3A_32] : memref<50x64x4096xf32, #tpu.memory_space<hbm>> -> memref<1x1x4096xf32, #tpu.memory_space<hbm>>
      %dma_wait3A_34 = tpu.memref_squeeze %dma_wait3A_33 : memref<1x1x4096xf32, #tpu.memory_space<hbm>> -> memref<4096xf32, #tpu.memory_space<hbm>>
      tpu.wait_dma2 semaphore(%arg16 : memref<!tpu.dma_semaphore, #tpu.memory_space<semaphore_mem>>) src(%arg10 : memref<4096xf32, #tpu.memory_space<vmem>>) dst(%dma_wait3A_34 : memref<4096xf32, #tpu.memory_space<hbm>>)
      %dma_wait3A_35 = arith.constant 0 : i32
      %dma_wait3A_36 = arith.constant 0 : i32
      %dma_wait3A_37 = tpu.memref_slice %arg2[%dma_wait3A_35, %dma_wait3A_36] : memref<50x4096xi32, #tpu.memory_space<hbm>> -> memref<1x4096xi32, #tpu.memory_space<hbm>>
      %dma_wait3A_38 = tpu.memref_squeeze %dma_wait3A_37 : memref<1x4096xi32, #tpu.memory_space<hbm>> -> memref<4096xi32, #tpu.memory_space<hbm>>
      %dma_wait3A_39 = arith.constant 0 : i32
      %dma_wait3A_40 = tpu.memref_slice %arg2[%dma_wait3A_35, %dma_wait3A_39] : memref<50x4096xi32, #tpu.memory_space<hbm>> -> memref<1x4096xi32, #tpu.memory_space<hbm>>
      %dma_wait3A_41 = tpu.memref_squeeze %dma_wait3A_40 : memref<1x4096xi32, #tpu.memory_space<hbm>> -> memref<4096xi32, #tpu.memory_space<hbm>>
      tpu.wait_dma2 semaphore(%arg13 : memref<!tpu.dma_semaphore, #tpu.memory_space<semaphore_mem>>) src(%dma_wait3A_41 : memref<4096xi32, #tpu.memory_space<hbm>>) dst(%arg7 : memref<4096xi32, #tpu.memory_space<vmem>>)
      %get3A = arith.constant 48 : i32
      %get3A_42 = arith.index_cast %get3A : i32 to index
      %get3A_43 = arith.constant 0 : index
      %get3A_44 = tpu.vector_load %arg12[%get3A_42, %get3A_43] {strides = array<i32>} : memref<50x16xf32, #tpu.memory_space<vmem>>, vector<16xf32>,
      %parallel_loop3A = arith.constant 0 : i32
      %parallel_loop3A_45 = arith.constant 256 : i32
      %parallel_loop3A_46 = arith.constant 1 : i32
      scf.for %parallel_loop3A_96 = %parallel_loop3A to %parallel_loop3A_45 step %parallel_loop3A_46  : i32 {
        %parallel_loop3A_97 = arith.constant 16 : i32
        %parallel_loop3A_98 = arith.muli %parallel_loop3A_96, %parallel_loop3A_97 : i32
        %parallel_loop3A_99 = arith.index_cast %parallel_loop3A_98 : i32 to index
        %parallel_loop3A_100 = tpu.vector_load %arg7[%parallel_loop3A_99] {strides = array<i32>} : memref<4096xi32, #tpu.memory_space<vmem>>, vector<16xi32>,
        %parallel_loop3A_101 = tpu.vector_load_idx %arg6[%parallel_loop3A_100] : memref<100000xf32, #tpu.memory_space<vmem>>[vector<16xi32>], vector<16xf32>,
        %parallel_loop3A_102 = arith.addf %parallel_loop3A_101, %get3A_44 : vector<16xf32>
        %parallel_loop3A_103 = arith.index_cast %parallel_loop3A_98 : i32 to index
        %parallel_loop3A_104 = tpu.vector_load %arg10[%parallel_loop3A_103] {strides = array<i32>} : memref<4096xf32, #tpu.memory_space<vmem>>, vector<16xf32>,
        tpu.vector_store %arg10[%parallel_loop3A_103], %parallel_loop3A_102 {strides = array<i32>} : memref<4096xf32, #tpu.memory_space<vmem>>, vector<16xf32>,
      } {sc.loop_unroll_factor = 8 : i64, sc.parallel_access}
      %dma_start3A_47 = arith.constant 48 : i32
      %dma_start3A_48 = arith.constant 0 : i32
      %dma_start3A_49 = tpu.memref_slice %arg5[%dma_start3A_47, %add3A_9, %dma_start3A_48] : memref<50x64x4096xf32, #tpu.memory_space<hbm>> -> memref<1x1x4096xf32, #tpu.memory_space<hbm>>
      %dma_start3A_50 = tpu.memref_squeeze %dma_start3A_49 : memref<1x1x4096xf32, #tpu.memory_space<hbm>> -> memref<4096xf32, #tpu.memory_space<hbm>>
      %dma_start3A_51 = arith.constant 0 : i32
      %dma_start3A_52 = tpu.memref_slice %arg5[%dma_start3A_47, %add3A_9, %dma_start3A_51] : memref<50x64x4096xf32, #tpu.memory_space<hbm>> -> memref<1x1x4096xf32, #tpu.memory_space<hbm>>
      %dma_start3A_53 = tpu.memref_squeeze %dma_start3A_52 : memref<1x1x4096xf32, #tpu.memory_space<hbm>> -> memref<4096xf32, #tpu.memory_space<hbm>>
      tpu.enqueue_dma source(%arg10 : memref<4096xf32, #tpu.memory_space<vmem>>) target(%dma_start3A_53 : memref<4096xf32, #tpu.memory_space<hbm>>) target_semaphore(%arg16 : memref<!tpu.dma_semaphore, #tpu.memory_space<semaphore_mem>>)
      %dma_wait3A_54 = arith.constant 47 : i32
      %dma_wait3A_55 = arith.constant 0 : i32
      %dma_wait3A_56 = tpu.memref_slice %arg5[%dma_wait3A_54, %add3A_9, %dma_wait3A_55] : memref<50x64x4096xf32, #tpu.memory_space<hbm>> -> memref<1x1x4096xf32, #tpu.memory_space<hbm>>
      %dma_wait3A_57 = tpu.memref_squeeze %dma_wait3A_56 : memref<1x1x4096xf32, #tpu.memory_space<hbm>> -> memref<4096xf32, #tpu.memory_space<hbm>>
      %dma_wait3A_58 = arith.constant 0 : i32
      %dma_wait3A_59 = tpu.memref_slice %arg5[%dma_wait3A_54, %add3A_9, %dma_wait3A_58] : memref<50x64x4096xf32, #tpu.memory_space<hbm>> -> memref<1x1x4096xf32, #tpu.memory_space<hbm>>
      %dma_wait3A_60 = tpu.memref_squeeze %dma_wait3A_59 : memref<1x1x4096xf32, #tpu.memory_space<hbm>> -> memref<4096xf32, #tpu.memory_space<hbm>>
      tpu.wait_dma2 semaphore(%arg17 : memref<!tpu.dma_semaphore, #tpu.memory_space<semaphore_mem>>) src(%arg11 : memref<4096xf32, #tpu.memory_space<vmem>>) dst(%dma_wait3A_60 : memref<4096xf32, #tpu.memory_space<hbm>>)
      %dma_wait3A_61 = arith.constant 0 : i32
      %dma_wait3A_62 = arith.constant 0 : i32
      %dma_wait3A_63 = tpu.memref_slice %arg2[%dma_wait3A_61, %dma_wait3A_62] : memref<50x4096xi32, #tpu.memory_space<hbm>> -> memref<1x4096xi32, #tpu.memory_space<hbm>>
      %dma_wait3A_64 = tpu.memref_squeeze %dma_wait3A_63 : memref<1x4096xi32, #tpu.memory_space<hbm>> -> memref<4096xi32, #tpu.memory_space<hbm>>
      %dma_wait3A_65 = arith.constant 0 : i32
      %dma_wait3A_66 = tpu.memref_slice %arg2[%dma_wait3A_61, %dma_wait3A_65] : memref<50x4096xi32, #tpu.memory_space<hbm>> -> memref<1x4096xi32, #tpu.memory_space<hbm>>
      %dma_wait3A_67 = tpu.memref_squeeze %dma_wait3A_66 : memref<1x4096xi32, #tpu.memory_space<hbm>> -> memref<4096xi32, #tpu.memory_space<hbm>>
      tpu.wait_dma2 semaphore(%arg14 : memref<!tpu.dma_semaphore, #tpu.memory_space<semaphore_mem>>) src(%dma_wait3A_67 : memref<4096xi32, #tpu.memory_space<hbm>>) dst(%arg8 : memref<4096xi32, #tpu.memory_space<vmem>>)
      %get3A_68 = arith.constant 49 : i32
      %get3A_69 = arith.index_cast %get3A_68 : i32 to index
      %get3A_70 = arith.constant 0 : index
      %get3A_71 = tpu.vector_load %arg12[%get3A_69, %get3A_70] {strides = array<i32>} : memref<50x16xf32, #tpu.memory_space<vmem>>, vector<16xf32>,
      %parallel_loop3A_72 = arith.constant 0 : i32
      %parallel_loop3A_73 = arith.constant 256 : i32
      %parallel_loop3A_74 = arith.constant 1 : i32
      scf.for %parallel_loop3A_96 = %parallel_loop3A_72 to %parallel_loop3A_73 step %parallel_loop3A_74  : i32 {
        %parallel_loop3A_97 = arith.constant 16 : i32
        %parallel_loop3A_98 = arith.muli %parallel_loop3A_96, %parallel_loop3A_97 : i32
        %parallel_loop3A_99 = arith.index_cast %parallel_loop3A_98 : i32 to index
        %parallel_loop3A_100 = tpu.vector_load %arg8[%parallel_loop3A_99] {strides = array<i32>} : memref<4096xi32, #tpu.memory_space<vmem>>, vector<16xi32>,
        %parallel_loop3A_101 = tpu.vector_load_idx %arg6[%parallel_loop3A_100] : memref<100000xf32, #tpu.memory_space<vmem>>[vector<16xi32>], vector<16xf32>,
        %parallel_loop3A_102 = arith.addf %parallel_loop3A_101, %get3A_71 : vector<16xf32>
        %parallel_loop3A_103 = arith.index_cast %parallel_loop3A_98 : i32 to index
        %parallel_loop3A_104 = tpu.vector_load %arg11[%parallel_loop3A_103] {strides = array<i32>} : memref<4096xf32, #tpu.memory_space<vmem>>, vector<16xf32>,
        tpu.vector_store %arg11[%parallel_loop3A_103], %parallel_loop3A_102 {strides = array<i32>} : memref<4096xf32, #tpu.memory_space<vmem>>, vector<16xf32>,
      } {sc.loop_unroll_factor = 8 : i64, sc.parallel_access}
      %dma_start3A_75 = arith.constant 49 : i32
      %dma_start3A_76 = arith.constant 0 : i32
      %dma_start3A_77 = tpu.memref_slice %arg5[%dma_start3A_75, %add3A_9, %dma_start3A_76] : memref<50x64x4096xf32, #tpu.memory_space<hbm>> -> memref<1x1x4096xf32, #tpu.memory_space<hbm>>
      %dma_start3A_78 = tpu.memref_squeeze %dma_start3A_77 : memref<1x1x4096xf32, #tpu.memory_space<hbm>> -> memref<4096xf32, #tpu.memory_space<hbm>>
      %dma_start3A_79 = arith.constant 0 : i32
      %dma_start3A_80 = tpu.memref_slice %arg5[%dma_start3A_75, %add3A_9, %dma_start3A_79] : memref<50x64x4096xf32, #tpu.memory_space<hbm>> -> memref<1x1x4096xf32, #tpu.memory_space<hbm>>
      %dma_start3A_81 = tpu.memref_squeeze %dma_start3A_80 : memref<1x1x4096xf32, #tpu.memory_space<hbm>> -> memref<4096xf32, #tpu.memory_space<hbm>>
      tpu.enqueue_dma source(%arg11 : memref<4096xf32, #tpu.memory_space<vmem>>) target(%dma_start3A_81 : memref<4096xf32, #tpu.memory_space<hbm>>) target_semaphore(%arg17 : memref<!tpu.dma_semaphore, #tpu.memory_space<semaphore_mem>>)
      %dma_wait3A_82 = arith.constant 48 : i32
      %dma_wait3A_83 = arith.constant 0 : i32
      %dma_wait3A_84 = tpu.memref_slice %arg5[%dma_wait3A_82, %add3A_9, %dma_wait3A_83] : memref<50x64x4096xf32, #tpu.memory_space<hbm>> -> memref<1x1x4096xf32, #tpu.memory_space<hbm>>
      %dma_wait3A_85 = tpu.memref_squeeze %dma_wait3A_84 : memref<1x1x4096xf32, #tpu.memory_space<hbm>> -> memref<4096xf32, #tpu.memory_space<hbm>>
      %dma_wait3A_86 = arith.constant 0 : i32
      %dma_wait3A_87 = tpu.memref_slice %arg5[%dma_wait3A_82, %add3A_9, %dma_wait3A_86] : memref<50x64x4096xf32, #tpu.memory_space<hbm>> -> memref<1x1x4096xf32, #tpu.memory_space<hbm>>
      %dma_wait3A_88 = tpu.memref_squeeze %dma_wait3A_87 : memref<1x1x4096xf32, #tpu.memory_space<hbm>> -> memref<4096xf32, #tpu.memory_space<hbm>>
      tpu.wait_dma2 semaphore(%arg16 : memref<!tpu.dma_semaphore, #tpu.memory_space<semaphore_mem>>) src(%arg10 : memref<4096xf32, #tpu.memory_space<vmem>>) dst(%dma_wait3A_88 : memref<4096xf32, #tpu.memory_space<hbm>>)
      %dma_wait3A_89 = arith.constant 49 : i32
      %dma_wait3A_90 = arith.constant 0 : i32
      %dma_wait3A_91 = tpu.memref_slice %arg5[%dma_wait3A_89, %add3A_9, %dma_wait3A_90] : memref<50x64x4096xf32, #tpu.memory_space<hbm>> -> memref<1x1x4096xf32, #tpu.memory_space<hbm>>
      %dma_wait3A_92 = tpu.memref_squeeze %dma_wait3A_91 : memref<1x1x4096xf32, #tpu.memory_space<hbm>> -> memref<4096xf32, #tpu.memory_space<hbm>>
      %dma_wait3A_93 = arith.constant 0 : i32
      %dma_wait3A_94 = tpu.memref_slice %arg5[%dma_wait3A_89, %add3A_9, %dma_wait3A_93] : memref<50x64x4096xf32, #tpu.memory_space<hbm>> -> memref<1x1x4096xf32, #tpu.memory_space<hbm>>
      %dma_wait3A_95 = tpu.memref_squeeze %dma_wait3A_94 : memref<1x1x4096xf32, #tpu.memory_space<hbm>> -> memref<4096xf32, #tpu.memory_space<hbm>>
      tpu.wait_dma2 semaphore(%arg17 : memref<!tpu.dma_semaphore, #tpu.memory_space<semaphore_mem>>) src(%arg11 : memref<4096xf32, #tpu.memory_space<vmem>>) dst(%dma_wait3A_95 : memref<4096xf32, #tpu.memory_space<hbm>>)
    }
    %scan3A_5 = arith.constant 2 : i32
    return
  }
}

</mosaic_0001>

<sc_bundles>
// kernel: kernel.3.cloned.1.call-start
scs
__scs_entry_jumppad:
0x0: {  	(pc) =	sbr.rel $0x88, $3  }
0x1: {  	(tag) =	ssettag $0x0;
	lr =	simm.s32 $0x1  }
0x2: {  	[smem:$0x3F9E] =	sst lr;
	_ =	strace $0xD0000000  }
0x3: {  	_ = 	snop  }
0x4: {  	_ = 	snop  }
0x5: {  	_ = 	snop  }
0x6: {  	_ = 	snop  }
0x7: {  	_ = 	snop  }
__scs_overlays_trampoline_lowered:
0x8: {  	[smem:$0x3FAD] =	sst s0  }
0x9: {  	[smem:$0x3FAE] =	sst s1  }
0xa: {  	[smem:$0x3FAF] =	sst s2  }
0xb: {  	[smem:$0x3FB0] =	sst s3  }
0xc: {  	[smem:$0x3FB1] =	sst s4  }
0xd: {  	[smem:$0x3FB2] =	sst s5  }
0xe: {  	[smem:$0x3FB3] =	sst s6  }
0xf: {  	[smem:$0x3FB4] =	sst s7  }
0x10: {  	[smem:$0x3FB5] =	sst s8  }
0x11: {  	[smem:$0x3FB6] =	sst s9;
	s0 =	simm.s32 @!p0 $0x0  }
0x12: {  	s1 =	sld [smem:$0x3F9C];
	s0 =	simm.s32 @p0 $0x1  }
0x13: {  	[smem:$0x3FB7] =	sst s0;
	s0 =	simm.s32 @!p1 $0x0  }
0x14: {  	s2 =	sld [smem:$0x3F9B];
	s0 =	simm.s32 @p1 $0x1  }
0x15: {  	[smem:$0x3FB8] =	sst s0;
	s0 =	simm.s32 @!p2 $0x0  }
0x16: {  	s3 =	sld [smem:$0x3FDB];
	s0 =	simm.s32 @p2 $0x1  }
0x17: {  	s4 =	simm.s32 $0x1BF5;
	[smem:$0x3FBA] =	sst s0  }
0x18: {  	s0 =	sld [smem:$0x3F9D];
	_ =	swait.ge [sflag:s4], $0x0  }
0x19: {  	s7 =	sld [smem:$0x3F9E]  }
0x1a: {  	s8 =	sadd.s32 $0xFFFFE003, lr  }
0x1b: {  	s9 =	sadd.s32 $0xFFFFFEF7, lr;
	s5 =	simm.s32 $0xFFFFFFFF;
	p2 =	slt.u32 s8, $0xFFFFF086  }
0x1c: {  	p1 =	slt.u32 s9, $0xF7A;
	s5 =	simm.s32 @!p2 $0x0  }
0x1d: {  	s5 =	simm.s32 @p1 $0x1;
	p0 =	seq.s32 s7, s2  }
0x1e: {  	s7 =	smul.u32 @!p0 $0xF7A, s2;
	p2 =	seq.s32 @!p0 s5, $0x0  }
0x1f: {  	s9 =	smul.u32 $0xF7A, s1;
	s8 =	simm.s32 @!p0 $0x1BF5;
	p2 =	por !p2, p0  }
0x20: {  	[sflag:s8] =	ssyncset.s32 @!p0 $0xFFFFF086;
	s6 =	sadd.s32 @!p0 s3, s7;
	s7 =	simm.s32 @!p0 $0x108  }
0x21: {  	s3 =	sadd.s32 s3, s9;
	s6 =	sadd.s32 @!p0 $0x88, s6;
	s7 =	simm.s32 @p2 $0x1082  }
0x22: {  	[simem:s7], [sflag:s8] =	dma.local @!p0 [hbm:s6], $0xF7A  }
0x23: {  	s9 =	sor.u32 $0xD0000000, s2;
	s6 =	simm.s32 $0x108;
	_ =	swait.ge @!p0 [sflag:s8], $0x0  }
0x24: {  	s3 =	sadd.s32 $0x88, s3;
	s6 =	simm.s32 @!p1 $0x1082;
	[sflag:s4] =	ssyncset.s32 $0xFFFFF086  }
0x25: {  	[simem:s6], [sflag:s4] =	dma.local [hbm:s3], $0xF7A  }
0x26: {  	[smem:$0x3F9E] =	sst s1;
	(tag) =	ssettag s2;
	_ =	strace s9  }
0x27: {  	s1 =	sld [smem:$0x3FAE]  }
0x28: {  	s2 =	sld [smem:$0x3FAF]  }
0x29: {  	s4 =	sld [smem:$0x3FB1]  }
0x2a: {  	p0 =	seq.s32 s5, $0x0;
	s5 =	sld [smem:$0x3FB2]  }
0x2b: {  	s6 =	sld [smem:$0x3FB3]  }
0x2c: {  	s7 =	sld [smem:$0x3FB4]  }
0x2d: {  	s3 =	simm.s32 $0x108;
	s8 =	sld [smem:$0x3FB5]  }
0x2e: {  	s3 =	simm.s32 @!p0 $0x1082;
	s9 =	sld [smem:$0x3FB6]  }
0x2f: {  	lr =	sadd.s32 s0, s3;
	s0 =	sld [smem:$0x3FAD]  }
0x30: {  	s3 =	sld [smem:$0x3FB0]  }
0x31: {  	[smem:$0x3FB9] =	sst s10  }
0x32: {  	s10 =	sld [smem:$0x3FB7];
	_ =	sdelay $0x3  }
0x33: {  	p0 =	seq.s32 s10, $0x1;
	s10 =	sld [smem:$0x3FB9];
	_ =	sdelay $0x3  }
0x34: {  	[smem:$0x3FB9] =	sst s10  }
0x35: {  	s10 =	sld [smem:$0x3FB8];
	_ =	sdelay $0x3  }
0x36: {  	p1 =	seq.s32 s10, $0x1;
	s10 =	sld [smem:$0x3FB9];
	_ =	sdelay $0x3  }
0x37: {  	[smem:$0x3FB9] =	sst s10  }
0x38: {  	s10 =	sld [smem:$0x3FBA]  }
0x39: {  	_ = 	snop;
	(pc) =	sbr.ind lr, $3  }
0x3a: {  	_ = 	snop  }
0x3b: {  	_ = 	snop  }
0x3c: {  	p2 =	seq.s32 s10, $0x1;
	s10 =	sld [smem:$0x3FB9]  }
0x3d: {  	_ =	shalt  }
0x3e: {  	_ =	shalt  }
0x3f: {  	_ =	shalt  }
0x40: {  	_ =	shalt  }
0x41: {  	_ =	shalt  }
0x42: {  	_ =	shalt  }
0x43: {  	_ =	shalt  }
0x44: {  	_ =	shalt  }
0x45: {  	_ =	shalt  }
0x46: {  	_ =	shalt  }
0x47: {  	_ =	shalt  }
0x48: {  	_ =	shalt  }
0x49: {  	_ =	shalt  }
0x4a: {  	_ =	shalt  }
0x4b: {  	_ =	shalt  }
0x4c: {  	_ =	shalt  }
0x4d: {  	_ =	shalt  }
0x4e: {  	_ =	shalt  }
0x4f: {  	_ =	shalt  }
0x50: {  	_ =	shalt  }
0x51: {  	_ =	shalt  }
0x52: {  	_ =	shalt  }
0x53: {  	_ =	shalt  }
0x54: {  	_ =	shalt  }
0x55: {  	_ =	shalt  }
0x56: {  	_ =	shalt  }
0x57: {  	_ =	shalt  }
0x58: {  	_ =	shalt  }
0x59: {  	_ =	shalt  }
0x5a: {  	_ =	shalt  }
0x5b: {  	_ =	shalt  }
0x5c: {  	_ =	shalt  }
0x5d: {  	_ =	shalt  }
0x5e: {  	_ =	shalt  }
0x5f: {  	_ =	shalt  }
0x60: {  	_ =	shalt  }
0x61: {  	_ =	shalt  }
0x62: {  	_ =	shalt  }
0x63: {  	_ =	shalt  }
0x64: {  	_ =	shalt  }
0x65: {  	_ =	shalt  }
0x66: {  	_ =	shalt  }
0x67: {  	_ =	shalt  }
0x68: {  	_ =	shalt  }
0x69: {  	_ =	shalt  }
0x6a: {  	_ =	shalt  }
0x6b: {  	_ =	shalt  }
0x6c: {  	_ =	shalt  }
0x6d: {  	_ =	shalt  }
0x6e: {  	_ =	shalt  }
0x6f: {  	_ =	shalt  }
0x70: {  	_ =	shalt  }
0x71: {  	_ =	shalt  }
0x72: {  	_ =	shalt  }
0x73: {  	_ =	shalt  }
0x74: {  	_ =	shalt  }
0x75: {  	_ =	shalt  }
0x76: {  	_ =	shalt  }
0x77: {  	_ =	shalt  }
0x78: {  	_ =	shalt  }
0x79: {  	_ =	shalt  }
0x7a: {  	_ =	shalt  }
0x7b: {  	_ =	shalt  }
0x7c: {  	_ =	shalt  }
0x7d: {  	_ =	shalt  }
0x7e: {  	_ =	shalt  }
0x7f: {  	_ =	shalt  }
0x80: {  	_ =	shalt  }
0x81: {  	_ =	shalt  }
0x82: {  	_ =	shalt  }
0x83: {  	_ =	shalt  }
0x84: {  	_ =	shalt  }
0x85: {  	_ =	shalt  }
0x86: {  	_ =	shalt  }
0x87: {  	_ =	shalt  }
.Lfunc_end0:
.L_simem_size_0:
called_computation_lowered:
.L_overlay_start_0:
0x88: {  	s2 =	sld [smem:$0x3FD9]  }
0x89: {  	s3 =	sld [smem:$0x3FFE];
	_ =	sdelay $0x1  }
0x8a: {  	s1 =	srdreg.scid  }
0x8b: {  	s0 =	sand.u32 $0x1, s1  }
0x8c: {  	s17 =	sshll.u32 s0, $0xA;
	s2 =	sadd.s32 s3, s2  }
0x8d: {  	s2 =	sadd.s32 s2, s17  }
0x8e: {  	[smem:$0x3FC5] =	sst s2  }
0x8f: {  	_ = 	snop  }
0x90: {  	s2 =	sld [smem:$0x3FC9]  }
0x91: {  	s18 =	sld [smem:$0x3FC8]  }
0x92: {  	s4 =	sld [smem:$0x3FD0];
	(tm) =	ssettm $0x1  }
0x93: {  	s5 =	sld [smem:$0x3FFB];
	_ =	sdelay $0x3  }
0x94: {  	_ =	strace s5  }
0x95: {  	s5 =	sld [smem:$0x3FFC];
	_ =	sdelay $0x3  }
0x96: {  	_ =	strace s5  }
0x97: {  	s5 =	sld [smem:$0x3FFD];
	_ =	sdelay $0x3  }
0x98: {  	_ =	strace s5  }
0x99: {  	_ =	strace $0x8FFFFFFF  }
0x9a: {  	s19 =	sld [smem:$0x3FDB];
	_ =	sdelay $0x1  }
0x9b: {  	s6 =	simm.s32 $_scs_section_size  }
0x9c: {  	s7 =	simm.s32 $_size__tile_overlayer_lowered;
	s8 =	simm.s32 $_tile_overlayer_lowered  }
0x9d: {  	s22 =	simm.s32 $0x1BFF;
	s21 =	sshll.u32 s8, $0x1;
	s5 =	sadd.s32 s6, s19  }
0x9e: {  	s9 =	simm.s32 $0x0;
	s20 =	sshll.u32 s7, $0x1;
	s7 =	sadd.s32 s21, s5  }
0x9f: {  	[timem:s9], [sflag:s22] =	dma.local [hbm:s7], s20  }
0xa0: {  	_ =	swait.ge [sflag:s22], s20  }
0xa1: {  	s6 =	ssub.s32 $0x0, s20;
	[sflag:s22] =	ssyncset.done $0x0  }
0xa2: {  	[sflag:s22] =	ssyncadd.s32 s6;
	_ =	sdelay $0x1  }
0xa3: {  	s23 =	simm.s32 $0x1B8B  }
0xa4: {  	_ =	swait.ge [sflag:s23], $0x1  }
0xa5: {  	[sflag:s23] =	ssyncset.done $0x0  }
0xa6: {  	s25 =	simm.s32 $0x1B8E;
	s24 =	sld [smem:$0x3FFE];
	[sflag:s23] =	ssyncadd.s32 $0xFFFFFFFF  }
0xa7: {  	s26 =	simm.s32 $execute0_lowered;
	[smem:$0x3FD2] =	sst s25  }
0xa8: {  	s7 =	sshll.u32 s26, $0x1;
	_ =	strace $0x80000046;
	[dreg:$0x1] =	wrdreg $0xFFFFFFFF  }
0xa9: {  	s28 =	simm.s32 $_size_execute0_lowered;
	s5 =	sadd.s32 s5, s7;
	[dreg:$0x0] =	wrdreg $0x0  }
0xaa: {  	s7 =	sshll.u32 s28, $0x1;
	[dreg:$0x2] =	wrdreg s5  }
0xab: {  	[dreg:$0x3] =	wrdreg s7  }
0xac: {  	[dreg:$0x4] =	wrdreg $0xC0  }
0xad: {  	_ =	task [dreg:s9], $0x5FFFF  }
0xae: {  	[dreg:$0x1] =	wrdreg $0xFFFFFFFF  }
0xaf: {  	[dreg:$0x0] =	wrdreg $0x60  }
0xb0: {  	[dreg:$0x2] =	wrdreg s2  }
0xb1: {  	[dreg:$0x3] =	wrdreg s18  }
0xb2: {  	[dreg:$0x4] =	wrdreg s24  }
0xb3: {  	[dreg:$0x5] =	wrdreg s4  }
0xb4: {  	[dreg:$0x6] =	wrdreg $0x9  }
0xb5: {  	_ =	task.clear_ibuf [dreg:s9], $0x7FFFF;
	_ =	strace $0x90000046  }
0xb6: {  	s29 =	simm.s32 $0x9;
	_ =	strace $0x80000048  }
0xb7: {  	_ =	swait.ge [sflag:s29], $0x1  }
0xb8: {  	[sflag:s29] =	ssyncadd.s32 $0xFFFFFFFF  }
0xb9: {  	_ =	strace $0x90000048  }
0xba: {  	_ =	sfence  }
0xbb: {  	s30 =	sld [smem:$0x0];
	_ =	sdelay $0x2  }
0xbc: {  	s31 =	sshll.u32 s1, $0xD;
	s1 =	sshrl.u32 s1, $0x2  }
0xbd: {  	s3 =	sand.u32 $0x4000, s31;
	s1 =	sadd.s32 s1, s30  }
0xbe: {  	s0 =	sor.u32 s3, s0;
	s1 =	sshll.u32 s1, $0x11  }
0xbf: {  	s0 =	sor.u32 s1, s0  }
0xc0: {  	s0 =	sadd.s32 $0x8F2B, s0  }
0xc1: {  	[sflag:s0] =	ssyncadd.remote.s32 $0x1  }
0xc2: {  	_ =	sfence.sel $0xFFFF  }
0xc3: {  	[dreg:$0x0] =	wrdreg $0xFFFFFFFF;
	(pc) =	sbr.abs _section_cstart, $3  }
0xc4: {  	[dreg:$0x1] =	wrdreg $0xFFFFFFFF  }
0xc5: {  	_ =	task.clear_ibuf [dreg:s9], $0x2FFFF;
	_ =	strace $0x9FFFFFFF  }
0xc6: {  	(tm) =	ssettm $0x7FFFFFFF  }
0xc7: {  	_ =	shalt  }
tec
execute0_lowered:
.L_overlay_start_1:
0x0: {  	(tag) =	ssettag $0x1  }
0x1: {  	s1 =	rddreg [dreg:$0x0]  }
0x2: {  	s0 =	rddreg [dreg:$0x2]  }
0x3: {  	s4 =	rddreg [dreg:$0x3];
	s2 =	srdreg.scid  }
0x4: {  	s5 =	simm.s32 $0x0;
	s6 =	stileid.u32;
	s11 =	simm.s32 $0x80  }
0x5: {  	s12 =	simm.s32 $0x400;
	s13 =	simm.s32 $0x6;
	s15 =	simm.s32 $0x18700  }
0x6: {  	s16 =	simm.s32 $0x19700;
	s17 =	simm.s32 $0x1;
	s18 =	simm.s32 $0x1A700  }
0x7: {  	s19 =	simm.s32 $0x1B700;
	s20 =	simm.s32 $0x2;
	s21 =	simm.s32 $0x1C700  }
0x8: {  	s22 =	simm.s32 $0x4;
	s23 =	simm.s32 $0x3;
	s2 =	sand.u32 $0x1, s2  }
0x9: {  	s24 =	simm.s32 $0x5;
	[smem:$0x7FF] =	sst s5;
	s3 =	ssub.s32 $0x2, s2  }
0xa: {  	s6 =	sshll.u32 s6, $0x1;
	s7 =	sadd.s32 $0x400, s0;
	s8 =	sshrl.u32 s3, $0x1  }
0xb: {  	s9 =	sadd.s32 $0x10, s1;
	s6 =	sor.u32 s2, s6;
	s31 =	ssub.s32 s3, s8  }
0xc: {  	_ =	strace $0x80000047;
	s2 =	sshll.u32 s6, $0x7;
	s0 =	smax.u32 s31, $0x1  }
0xd: {  	s8 =	sand.u32 $0x380, s2;
	s2 =	simm.s32 $0x0;
	[dreg:$0x5] =	wrdreg s0  }
.LBB2_1:
0xe: {  	[dreg:$0x6] =	wrdreg s2;
	p1 =	por $0x1, $0x1;
	s0 =	simm.s32 $0x0  }
.LBB2_2:
0xf: {  	s0 =	sor.u32 s6, s0  }
0x10: {  	s2 =	sshrl.u32 s0, $0x3  }
0x11: {  	s3 =	smul.u32 $0xC3800, s2;
	_ =	sdelay $0x1  }
0x12: {  	s3 =	sor.u32 s8, s3  }
0x13: {  	s10 =	rddreg [dreg:$0x1];
	s3 =	sshrl.u32 s3, $0x3  }
0x14: {  	s28 =	simm.s32 $0x0;
	s3 =	sadd.s32 s10, s3  }
0x15: {  	[tilespmem:s28], [sflag:$0x6] =	stream.strided.gather [hbm4b:s3+s11], $0x18700, s12, s11, $0x38;
	[tilespmem:$0x1F300] =	vst v63  }
0x16: {  	s0 =	smul.u32 $0x380, s0;
	_ =	swait.ge [sflag:s13], $0x18700  }
0x17: {  	[sflag:s13] =	ssyncset.done $0x0  }
0x18: {  	s30 =	simm.s32 $0x1D700;
	s0 =	sadd.s32 s7, s0;
	[sflag:s13] =	ssyncadd.s32 $0xFFFE7900  }
0x19: {  	[tilespmem:s30], [sflag:$0x6] =	stream.linear.gather [hbm4b:s0+s28], $0x1900, $0x38;
	[tilespmem:$0x1F300] =	vst v63  }
0x1a: {  	_ =	swait.ge [sflag:s13], $0x1900  }
0x1b: {  	[sflag:s13] =	ssyncset.done $0x0  }
0x1c: {  	s31 =	sshll.u32 s2, $0xF;
	[sflag:s13] =	ssyncadd.s32 $0xFFFFE700  }
0x1d: {  	[tilespmem:s15], [sflag:$0x1] =	stream.strided.gather [hbm4b:s1+s11], $0x1000, s12, s11, $0x38;
	[tilespmem:$0x1F300] =	vst v63  }
0x1e: {  	p0 =	por p1, p1;
	s26 =	sor.u32 s8, s31  }
0x1f: {  	[tilespmem:s16], [sflag:$0x2] =	stream.strided.gather [hbm4b:s9+s11], $0x1000, s12, s11, $0x38;
	[tilespmem:$0x1F300] =	vst v63  }
.LBB2_3:
0x20: {  	p1 =	seq.s32 s28, $0x0  }
0x21: {  	s29 =	smul.u32 $0x6, s28;
	s0 =	simm.s32 @!p1 $0x4  }
0x22: {  	_ =	swait.ge @!p1 [sflag:s0], $0x1000  }
0x23: {  	s30 =	sadd.s32 $0x2, s29;
	[sflag:s0] =	ssyncset.done @!p1 $0x0  }
0x24: {  	s14 =	smul.u32 $0xC00, s28;
	s10 =	sshll.u32 s30, $0x4;
	[sflag:s0] =	ssyncadd.s32 @!p1 $0xFFFFF000  }
0x25: {  	s3 =	sshll.u32 s30, $0x9;
	s0 =	sand.u32 $0x60, s10;
	_ =	swait.ge [sflag:s17], $0x1000  }
0x26: {  	s2 =	sand.u32 $0xF000, s3;
	s0 =	sadd.s32 s1, s0;
	[sflag:s17] =	ssyncset.done $0x0  }
0x27: {  	s25 =	sshra.s32 s14, $0x2;
	s0 =	sadd.s32 s2, s0;
	[sflag:s17] =	ssyncadd.s32 $0xFFFFF000  }
0x28: {  	[tilespmem:s18], [sflag:$0x3] =	stream.strided.gather [hbm4b:s0+s11], $0x1000, s12, s11, $0x38;
	[tilespmem:$0x1F300] =	vst v63  }
0x29: {  	s31 =	simm.s32 $0x18740;
	v0 =	vld [tilespmem:s25+$0x1D700]  }
0x2a: {  	v1 =	vld [tilespmem:s31+$0x30]  }
0x2b: {  	v2 =	vld [tilespmem:s31+$0xFFFFFFD0]  }
0x2c: {  	v3 =	vld [tilespmem:s31+$0xFFFFFFE0]  }
0x2d: {  	v4 =	vld [tilespmem:s31+$0xFFFFFFF0]  }
0x2e: {  	v7 =	vld [tilespmem:s31+$0x0]  }
0x2f: {  	v8 =	vld [tilespmem:s31+$0x10]  }
0x30: {  	v9 =	vld [tilespmem:s31+$0x20]  }
0x31: {  	v10 =	vld [tilespmem:s31+$0xFFFFFFC0]  }
0x32: {  	v11 =	vld.idx.msk [tilespmem:v1+s5+$0x0], $0xffff  }
0x33: {  	v12 =	vld.idx.msk [tilespmem:v2+s5+$0x0], $0xffff  }
0x34: {  	v6 =	vld.idx.msk [tilespmem:v3+s5+$0x0], $0xffff  }
0x35: {  	v5 =	vld.idx.msk [tilespmem:v4+s5+$0x0], $0xffff  }
0x36: {  	v4 =	vld.idx.msk [tilespmem:v7+s5+$0x0], $0xffff  }
0x37: {  	v3 =	vld.idx.msk [tilespmem:v8+s5+$0x0], $0xffff  }
0x38: {  	v1 =	vld.idx.msk [tilespmem:v9+s5+$0x0], $0xffff;
	v7 =	vadd.f32 v11, v0  }
0x39: {  	s10 =	simm.s32 $0x0;
	s2 =	simm.s32 $0x187C0;
	s0 =	simm.s32 $0x1B740;
	v2 =	vld.idx.msk [tilespmem:v10+s5+$0x0], $0xffff;
	v8 =	vadd.f32 v12, v0  }
.LBB2_4:
0x3a: {  	v9 =	vld [tilespmem:s2+$0x30];
	s10 =	sadd.s32 $0x8, s10;
	v6 =	vadd.f32 v6, v0;
	[tilespmem:s0+$0x30] =	vst v7  }
0x3b: {  	v5 =	vadd.f32 v5, v0;
	v7 =	vld [tilespmem:s2+$0xFFFFFFD0];
	p2 =	slt.u32 s10, $0xF8;
	[tilespmem:s0+$0xFFFFFFD0] =	vst v8  }
0x3c: {  	v4 =	vadd.f32 v4, v0;
	v8 =	vld [tilespmem:s2+$0xFFFFFFE0];
	[tilespmem:s0+$0xFFFFFFE0] =	vst v6  }
0x3d: {  	v3 =	vadd.f32 v3, v0;
	v10 =	vld [tilespmem:s2+$0xFFFFFFF0];
	[tilespmem:s0+$0xFFFFFFF0] =	vst v5  }
0x3e: {  	v1 =	vadd.f32 v1, v0;
	v11 =	vld [tilespmem:s2+$0x0];
	[tilespmem:s0+$0x0] =	vst v4  }
0x3f: {  	v2 =	vadd.f32 v2, v0;
	v12 =	vld [tilespmem:s2+$0x10];
	[tilespmem:s0+$0x10] =	vst v3  }
0x40: {  	v13 =	vld [tilespmem:s2+$0x20];
	[tilespmem:s0+$0x20] =	vst v1  }
0x41: {  	v14 =	vld [tilespmem:s2+$0xFFFFFFC0];
	[tilespmem:s0+$0xFFFFFFC0] =	vst v2  }
0x42: {  	v2 =	vld.idx.msk [tilespmem:v9+s5+$0x0], $0xffff  }
0x43: {  	v9 =	vld.idx.msk [tilespmem:v7+s5+$0x0], $0xffff  }
0x44: {  	v6 =	vld.idx.msk [tilespmem:v8+s5+$0x0], $0xffff  }
.Ltmp0:
0x45: {  	v5 =	vld.idx.msk [tilespmem:v10+s5+$0x0], $0xffff;
	(pc) =	sbr.rel @p2 .LBB2_4-.Ltmp0, $4  }
0x46: {  	v4 =	vld.idx.msk [tilespmem:v11+s5+$0x0], $0xffff  }
0x47: {  	v3 =	vld.idx.msk [tilespmem:v12+s5+$0x0], $0xffff  }
0x48: {  	v7 =	vadd.f32 v2, v0;
	v1 =	vld.idx.msk [tilespmem:v13+s5+$0x0], $0xffff  }
0x49: {  	s2 =	sadd.s32 $0x80, s2;
	s0 =	sadd.s32 $0x80, s0;
	v8 =	vadd.f32 v9, v0;
	v2 =	vld.idx.msk [tilespmem:v14+s5+$0x0], $0xffff  }
0x4a: {  	v6 =	vadd.f32 v6, v0;
	[tilespmem:s0+$0x30] =	vst v7  }
0x4b: {  	v5 =	vadd.f32 v5, v0;
	[tilespmem:s0+$0xFFFFFFD0] =	vst v8  }
0x4c: {  	v4 =	vadd.f32 v4, v0;
	[tilespmem:s0+$0xFFFFFFE0] =	vst v6  }
0x4d: {  	s2 =	smul.u32 $0x180000, s28;
	[tilespmem:s0+$0xFFFFFFF0] =	vst v5;
	v3 =	vadd.f32 v3, v0  }
0x4e: {  	[tilespmem:s0+$0x0] =	vst v4;
	v1 =	vadd.f32 v1, v0  }
0x4f: {  	s2 =	sadd.s32 s26, s2;
	v0 =	vadd.f32 v2, v0;
	[tilespmem:s0+$0x10] =	vst v3  }
0x50: {  	s2 =	sshrl.u32 s2, $0x3;
	[tilespmem:s0+$0x20] =	vst v1  }
0x51: {  	s10 =	sadd.s32 s4, s2;
	[tilespmem:s0+$0xFFFFFFC0] =	vst v0;
	s0 =	simm.s32 @!p1 $0x5  }
0x52: {  	[hbm4b:s10+s11] =	stream.strided.scatter [tilespmem:s19], [sflag:$0x4], $0x1000, s12, s11, $0x38;
	[tilespmem:$0x1F300] =	vst v63  }
0x53: {  	_ =	swait.ge @!p1 [sflag:s0], $0x1000  }
0x54: {  	s31 =	sadd.s32 $0x3, s29;
	[sflag:s0] =	ssyncset.done @!p1 $0x0  }
0x55: {  	s14 =	sshll.u32 s31, $0x4;
	s10 =	sshll.u32 s31, $0x9;
	[sflag:s0] =	ssyncadd.s32 @!p1 $0xFFFFF000  }
0x56: {  	s25 =	sand.u32 $0xF000, s10;
	s0 =	sand.u32 $0x70, s14;
	_ =	swait.ge [sflag:s20], $0x1000  }
0x57: {  	s14 =	sadd.s32 s1, s0;
	s0 =	sor.u32 $0x1, s29;
	[sflag:s20] =	ssyncset.done $0x0  }
0x58: {  	s2 =	sadd.s32 s25, s14;
	s14 =	sshll.u32 s0, $0x7;
	[sflag:s20] =	ssyncadd.s32 $0xFFFFF000  }
0x59: {  	[tilespmem:s15], [sflag:$0x1] =	stream.strided.gather [hbm4b:s2+s11], $0x1000, s12, s11, $0x38;
	[tilespmem:$0x1F300] =	vst v63  }
0x5a: {  	s2 =	sand.u32 $0x3FFFFF80, s14  }
0x5b: {  	s25 =	simm.s32 $0x19740;
	v0 =	vld [tilespmem:s2+$0x1D700]  }
0x5c: {  	v1 =	vld [tilespmem:s25+$0x30]  }
0x5d: {  	v2 =	vld [tilespmem:s25+$0xFFFFFFD0]  }
0x5e: {  	v3 =	vld [tilespmem:s25+$0xFFFFFFE0]  }
0x5f: {  	v4 =	vld [tilespmem:s25+$0xFFFFFFF0]  }
0x60: {  	v7 =	vld [tilespmem:s25+$0x0]  }
0x61: {  	v8 =	vld [tilespmem:s25+$0x10]  }
0x62: {  	v9 =	vld [tilespmem:s25+$0x20]  }
0x63: {  	v10 =	vld [tilespmem:s25+$0xFFFFFFC0]  }
0x64: {  	v11 =	vld.idx.msk [tilespmem:v1+s5+$0x0], $0xffff  }
0x65: {  	v12 =	vld.idx.msk [tilespmem:v2+s5+$0x0], $0xffff  }
0x66: {  	v6 =	vld.idx.msk [tilespmem:v3+s5+$0x0], $0xffff  }
0x67: {  	v5 =	vld.idx.msk [tilespmem:v4+s5+$0x0], $0xffff  }
0x68: {  	v4 =	vld.idx.msk [tilespmem:v7+s5+$0x0], $0xffff  }
0x69: {  	v3 =	vld.idx.msk [tilespmem:v8+s5+$0x0], $0xffff  }
0x6a: {  	v1 =	vld.idx.msk [tilespmem:v9+s5+$0x0], $0xffff;
	v7 =	vadd.f32 v11, v0  }
0x6b: {  	s14 =	simm.s32 $0x197C0;
	s25 =	simm.s32 $0x1C740;
	s2 =	simm.s32 $0x0;
	v2 =	vld.idx.msk [tilespmem:v10+s5+$0x0], $0xffff;
	v8 =	vadd.f32 v12, v0  }
.LBB2_6:
0x6c: {  	v9 =	vld [tilespmem:s14+$0x30];
	s2 =	sadd.s32 $0x8, s2;
	v6 =	vadd.f32 v6, v0;
	[tilespmem:s25+$0x30] =	vst v7  }
0x6d: {  	v5 =	vadd.f32 v5, v0;
	v7 =	vld [tilespmem:s14+$0xFFFFFFD0];
	p1 =	slt.u32 s2, $0xF8;
	[tilespmem:s25+$0xFFFFFFD0] =	vst v8  }
0x6e: {  	v4 =	vadd.f32 v4, v0;
	v8 =	vld [tilespmem:s14+$0xFFFFFFE0];
	[tilespmem:s25+$0xFFFFFFE0] =	vst v6  }
0x6f: {  	v3 =	vadd.f32 v3, v0;
	v10 =	vld [tilespmem:s14+$0xFFFFFFF0];
	[tilespmem:s25+$0xFFFFFFF0] =	vst v5  }
0x70: {  	v1 =	vadd.f32 v1, v0;
	v11 =	vld [tilespmem:s14+$0x0];
	[tilespmem:s25+$0x0] =	vst v4  }
0x71: {  	v2 =	vadd.f32 v2, v0;
	v12 =	vld [tilespmem:s14+$0x10];
	[tilespmem:s25+$0x10] =	vst v3  }
0x72: {  	v13 =	vld [tilespmem:s14+$0x20];
	[tilespmem:s25+$0x20] =	vst v1  }
0x73: {  	v14 =	vld [tilespmem:s14+$0xFFFFFFC0];
	[tilespmem:s25+$0xFFFFFFC0] =	vst v2  }
0x74: {  	v2 =	vld.idx.msk [tilespmem:v9+s5+$0x0], $0xffff  }
0x75: {  	v9 =	vld.idx.msk [tilespmem:v7+s5+$0x0], $0xffff  }
0x76: {  	v6 =	vld.idx.msk [tilespmem:v8+s5+$0x0], $0xffff  }
.Ltmp1:
0x77: {  	v5 =	vld.idx.msk [tilespmem:v10+s5+$0x0], $0xffff;
	(pc) =	sbr.rel @p1 .LBB2_6-.Ltmp1, $4  }
0x78: {  	v4 =	vld.idx.msk [tilespmem:v11+s5+$0x0], $0xffff  }
0x79: {  	v3 =	vld.idx.msk [tilespmem:v12+s5+$0x0], $0xffff  }
0x7a: {  	v7 =	vadd.f32 v2, v0;
	v1 =	vld.idx.msk [tilespmem:v13+s5+$0x0], $0xffff  }
0x7b: {  	s14 =	sadd.s32 $0x80, s14;
	s25 =	sadd.s32 $0x80, s25;
	v8 =	vadd.f32 v9, v0;
	v2 =	vld.idx.msk [tilespmem:v14+s5+$0x0], $0xffff  }
0x7c: {  	v6 =	vadd.f32 v6, v0;
	[tilespmem:s25+$0x30] =	vst v7  }
0x7d: {  	v5 =	vadd.f32 v5, v0;
	[tilespmem:s25+$0xFFFFFFD0] =	vst v8  }
0x7e: {  	v4 =	vadd.f32 v4, v0;
	[tilespmem:s25+$0xFFFFFFE0] =	vst v6  }
0x7f: {  	[tilespmem:s25+$0xFFFFFFF0] =	vst v5;
	v3 =	vadd.f32 v3, v0  }
0x80: {  	s0 =	sshll.u32 s0, $0x12;
	[tilespmem:s25+$0x0] =	vst v4;
	v1 =	vadd.f32 v1, v0  }
0x81: {  	s0 =	sadd.s32 s26, s0;
	v0 =	vadd.f32 v2, v0;
	[tilespmem:s25+$0x10] =	vst v3  }
0x82: {  	s0 =	sshrl.u32 s0, $0x3;
	[tilespmem:s25+$0x20] =	vst v1  }
0x83: {  	s0 =	sadd.s32 s4, s0;
	[tilespmem:s25+$0xFFFFFFC0] =	vst v0  }
0x84: {  	[hbm4b:s0+s11] =	stream.strided.scatter [tilespmem:s21], [sflag:$0x5], $0x1000, s12, s11, $0x38;
	[tilespmem:$0x1F300] =	vst v63  }
0x85: {  	_ =	swait.ge [sflag:s22], $0x1000  }
0x86: {  	s0 =	sadd.s32 $0x4, s29;
	[sflag:s22] =	ssyncset.done $0x0  }
0x87: {  	s2 =	sshll.u32 s0, $0x4;
	[sflag:s22] =	ssyncadd.s32 $0xFFFFF000  }
0x88: {  	s25 =	sshll.u32 s0, $0x9;
	s2 =	sand.u32 $0x60, s2;
	_ =	swait.ge [sflag:s23], $0x1000  }
0x89: {  	s14 =	sand.u32 $0xF000, s25;
	s2 =	sadd.s32 s1, s2;
	[sflag:s23] =	ssyncset.done $0x0  }
0x8a: {  	s3 =	sshrl.u32 s3, $0x2;
	s2 =	sadd.s32 s14, s2;
	[sflag:s23] =	ssyncadd.s32 $0xFFFFF000  }
0x8b: {  	[tilespmem:s16], [sflag:$0x2] =	stream.strided.gather [hbm4b:s2+s11], $0x1000, s12, s11, $0x38;
	[tilespmem:$0x1F300] =	vst v63  }
0x8c: {  	s14 =	simm.s32 $0x1A740;
	v0 =	vld [tilespmem:s3+$0x1D700]  }
0x8d: {  	v1 =	vld [tilespmem:s14+$0x30]  }
0x8e: {  	v2 =	vld [tilespmem:s14+$0xFFFFFFD0]  }
0x8f: {  	v3 =	vld [tilespmem:s14+$0xFFFFFFE0]  }
0x90: {  	v4 =	vld [tilespmem:s14+$0xFFFFFFF0]  }
0x91: {  	v7 =	vld [tilespmem:s14+$0x0]  }
0x92: {  	v8 =	vld [tilespmem:s14+$0x10]  }
0x93: {  	v9 =	vld [tilespmem:s14+$0x20]  }
0x94: {  	v10 =	vld [tilespmem:s14+$0xFFFFFFC0]  }
0x95: {  	v11 =	vld.idx.msk [tilespmem:v1+s5+$0x0], $0xffff  }
0x96: {  	v12 =	vld.idx.msk [tilespmem:v2+s5+$0x0], $0xffff  }
0x97: {  	v6 =	vld.idx.msk [tilespmem:v3+s5+$0x0], $0xffff  }
0x98: {  	v5 =	vld.idx.msk [tilespmem:v4+s5+$0x0], $0xffff  }
0x99: {  	v4 =	vld.idx.msk [tilespmem:v7+s5+$0x0], $0xffff  }
0x9a: {  	v3 =	vld.idx.msk [tilespmem:v8+s5+$0x0], $0xffff  }
0x9b: {  	v1 =	vld.idx.msk [tilespmem:v9+s5+$0x0], $0xffff;
	v7 =	vadd.f32 v11, v0  }
0x9c: {  	s2 =	simm.s32 $0x0;
	s3 =	simm.s32 $0x1B740;
	s14 =	simm.s32 $0x1A7C0;
	v2 =	vld.idx.msk [tilespmem:v10+s5+$0x0], $0xffff;
	v8 =	vadd.f32 v12, v0  }
.LBB2_8:
0x9d: {  	v9 =	vld [tilespmem:s14+$0x30];
	s2 =	sadd.s32 $0x8, s2;
	v6 =	vadd.f32 v6, v0;
	[tilespmem:s3+$0x30] =	vst v7  }
0x9e: {  	v5 =	vadd.f32 v5, v0;
	v7 =	vld [tilespmem:s14+$0xFFFFFFD0];
	p1 =	slt.u32 s2, $0xF8;
	[tilespmem:s3+$0xFFFFFFD0] =	vst v8  }
0x9f: {  	v4 =	vadd.f32 v4, v0;
	v8 =	vld [tilespmem:s14+$0xFFFFFFE0];
	[tilespmem:s3+$0xFFFFFFE0] =	vst v6  }
0xa0: {  	v3 =	vadd.f32 v3, v0;
	v10 =	vld [tilespmem:s14+$0xFFFFFFF0];
	[tilespmem:s3+$0xFFFFFFF0] =	vst v5  }
0xa1: {  	v1 =	vadd.f32 v1, v0;
	v11 =	vld [tilespmem:s14+$0x0];
	[tilespmem:s3+$0x0] =	vst v4  }
0xa2: {  	v2 =	vadd.f32 v2, v0;
	v12 =	vld [tilespmem:s14+$0x10];
	[tilespmem:s3+$0x10] =	vst v3  }
0xa3: {  	v13 =	vld [tilespmem:s14+$0x20];
	[tilespmem:s3+$0x20] =	vst v1  }
0xa4: {  	v14 =	vld [tilespmem:s14+$0xFFFFFFC0];
	[tilespmem:s3+$0xFFFFFFC0] =	vst v2  }
0xa5: {  	v2 =	vld.idx.msk [tilespmem:v9+s5+$0x0], $0xffff  }
0xa6: {  	v9 =	vld.idx.msk [tilespmem:v7+s5+$0x0], $0xffff  }
0xa7: {  	v6 =	vld.idx.msk [tilespmem:v8+s5+$0x0], $0xffff  }
.Ltmp2:
0xa8: {  	v5 =	vld.idx.msk [tilespmem:v10+s5+$0x0], $0xffff;
	(pc) =	sbr.rel @p1 .LBB2_8-.Ltmp2, $4  }
0xa9: {  	v4 =	vld.idx.msk [tilespmem:v11+s5+$0x0], $0xffff  }
0xaa: {  	v3 =	vld.idx.msk [tilespmem:v12+s5+$0x0], $0xffff  }
0xab: {  	v7 =	vadd.f32 v2, v0;
	v1 =	vld.idx.msk [tilespmem:v13+s5+$0x0], $0xffff  }
0xac: {  	s14 =	sadd.s32 $0x80, s14;
	s3 =	sadd.s32 $0x80, s3;
	v8 =	vadd.f32 v9, v0;
	v2 =	vld.idx.msk [tilespmem:v14+s5+$0x0], $0xffff  }
0xad: {  	v6 =	vadd.f32 v6, v0;
	[tilespmem:s3+$0x30] =	vst v7  }
0xae: {  	v5 =	vadd.f32 v5, v0;
	[tilespmem:s3+$0xFFFFFFD0] =	vst v8  }
0xaf: {  	v4 =	vadd.f32 v4, v0;
	[tilespmem:s3+$0xFFFFFFE0] =	vst v6  }
0xb0: {  	[tilespmem:s3+$0xFFFFFFF0] =	vst v5;
	v3 =	vadd.f32 v3, v0  }
0xb1: {  	s2 =	sshll.u32 s30, $0x12;
	[tilespmem:s3+$0x0] =	vst v4;
	v1 =	vadd.f32 v1, v0  }
0xb2: {  	s2 =	sadd.s32 s26, s2;
	v0 =	vadd.f32 v2, v0;
	[tilespmem:s3+$0x10] =	vst v3  }
0xb3: {  	s2 =	sshrl.u32 s2, $0x3;
	[tilespmem:s3+$0x20] =	vst v1  }
0xb4: {  	s2 =	sadd.s32 s4, s2;
	[tilespmem:s3+$0xFFFFFFC0] =	vst v0  }
0xb5: {  	[hbm4b:s2+s11] =	stream.strided.scatter [tilespmem:s19], [sflag:$0x4], $0x1000, s12, s11, $0x38;
	[tilespmem:$0x1F300] =	vst v63  }
0xb6: {  	_ =	swait.ge [sflag:s24], $0x1000  }
0xb7: {  	s30 =	sadd.s32 $0x5, s29;
	[sflag:s24] =	ssyncset.done $0x0  }
0xb8: {  	s14 =	sshll.u32 s30, $0x4;
	[sflag:s24] =	ssyncadd.s32 $0xFFFFF000  }
0xb9: {  	s3 =	sshll.u32 s30, $0x9;
	s2 =	sand.u32 $0x70, s14;
	_ =	swait.ge [sflag:s17], $0x1000  }
0xba: {  	s14 =	sand.u32 $0xF000, s3;
	s2 =	sadd.s32 s1, s2;
	[sflag:s17] =	ssyncset.done $0x0  }
0xbb: {  	s10 =	sshrl.u32 s10, $0x2;
	s2 =	sadd.s32 s14, s2;
	[sflag:s17] =	ssyncadd.s32 $0xFFFFF000  }
0xbc: {  	[tilespmem:s18], [sflag:$0x3] =	stream.strided.gather [hbm4b:s2+s11], $0x1000, s12, s11, $0x38;
	[tilespmem:$0x1F300] =	vst v63  }
0xbd: {  	s14 =	simm.s32 $0x18740;
	v0 =	vld [tilespmem:s10+$0x1D700]  }
0xbe: {  	v1 =	vld [tilespmem:s14+$0x30]  }
0xbf: {  	v2 =	vld [tilespmem:s14+$0xFFFFFFD0]  }
0xc0: {  	v3 =	vld [tilespmem:s14+$0xFFFFFFE0]  }
0xc1: {  	v4 =	vld [tilespmem:s14+$0xFFFFFFF0]  }
0xc2: {  	v7 =	vld [tilespmem:s14+$0x0]  }
0xc3: {  	v8 =	vld [tilespmem:s14+$0x10]  }
0xc4: {  	v9 =	vld [tilespmem:s14+$0x20]  }
0xc5: {  	v10 =	vld [tilespmem:s14+$0xFFFFFFC0]  }
0xc6: {  	v11 =	vld.idx.msk [tilespmem:v1+s5+$0x0], $0xffff  }
0xc7: {  	v12 =	vld.idx.msk [tilespmem:v2+s5+$0x0], $0xffff  }
0xc8: {  	v6 =	vld.idx.msk [tilespmem:v3+s5+$0x0], $0xffff  }
0xc9: {  	v5 =	vld.idx.msk [tilespmem:v4+s5+$0x0], $0xffff  }
0xca: {  	v4 =	vld.idx.msk [tilespmem:v7+s5+$0x0], $0xffff  }
0xcb: {  	v3 =	vld.idx.msk [tilespmem:v8+s5+$0x0], $0xffff  }
0xcc: {  	v1 =	vld.idx.msk [tilespmem:v9+s5+$0x0], $0xffff;
	v7 =	vadd.f32 v11, v0  }
0xcd: {  	s2 =	simm.s32 $0x0;
	s10 =	simm.s32 $0x1C740;
	s14 =	simm.s32 $0x187C0;
	v2 =	vld.idx.msk [tilespmem:v10+s5+$0x0], $0xffff;
	v8 =	vadd.f32 v12, v0  }
.LBB2_10:
0xce: {  	v9 =	vld [tilespmem:s14+$0x30];
	s2 =	sadd.s32 $0x8, s2;
	v6 =	vadd.f32 v6, v0;
	[tilespmem:s10+$0x30] =	vst v7  }
0xcf: {  	v5 =	vadd.f32 v5, v0;
	v7 =	vld [tilespmem:s14+$0xFFFFFFD0];
	p1 =	slt.u32 s2, $0xF8;
	[tilespmem:s10+$0xFFFFFFD0] =	vst v8  }
0xd0: {  	v4 =	vadd.f32 v4, v0;
	v8 =	vld [tilespmem:s14+$0xFFFFFFE0];
	[tilespmem:s10+$0xFFFFFFE0] =	vst v6  }
0xd1: {  	v3 =	vadd.f32 v3, v0;
	v10 =	vld [tilespmem:s14+$0xFFFFFFF0];
	[tilespmem:s10+$0xFFFFFFF0] =	vst v5  }
0xd2: {  	v1 =	vadd.f32 v1, v0;
	v11 =	vld [tilespmem:s14+$0x0];
	[tilespmem:s10+$0x0] =	vst v4  }
0xd3: {  	v2 =	vadd.f32 v2, v0;
	v12 =	vld [tilespmem:s14+$0x10];
	[tilespmem:s10+$0x10] =	vst v3  }
0xd4: {  	v13 =	vld [tilespmem:s14+$0x20];
	[tilespmem:s10+$0x20] =	vst v1  }
0xd5: {  	v14 =	vld [tilespmem:s14+$0xFFFFFFC0];
	[tilespmem:s10+$0xFFFFFFC0] =	vst v2  }
0xd6: {  	v2 =	vld.idx.msk [tilespmem:v9+s5+$0x0], $0xffff  }
0xd7: {  	v9 =	vld.idx.msk [tilespmem:v7+s5+$0x0], $0xffff  }
0xd8: {  	v6 =	vld.idx.msk [tilespmem:v8+s5+$0x0], $0xffff  }
.Ltmp3:
0xd9: {  	v5 =	vld.idx.msk [tilespmem:v10+s5+$0x0], $0xffff;
	(pc) =	sbr.rel @p1 .LBB2_10-.Ltmp3, $4  }
0xda: {  	v4 =	vld.idx.msk [tilespmem:v11+s5+$0x0], $0xffff  }
0xdb: {  	v3 =	vld.idx.msk [tilespmem:v12+s5+$0x0], $0xffff  }
0xdc: {  	v7 =	vadd.f32 v2, v0;
	v1 =	vld.idx.msk [tilespmem:v13+s5+$0x0], $0xffff  }
0xdd: {  	s14 =	sadd.s32 $0x80, s14;
	s10 =	sadd.s32 $0x80, s10;
	v8 =	vadd.f32 v9, v0;
	v2 =	vld.idx.msk [tilespmem:v14+s5+$0x0], $0xffff  }
0xde: {  	v6 =	vadd.f32 v6, v0;
	[tilespmem:s10+$0x30] =	vst v7  }
0xdf: {  	v5 =	vadd.f32 v5, v0;
	[tilespmem:s10+$0xFFFFFFD0] =	vst v8  }
0xe0: {  	v4 =	vadd.f32 v4, v0;
	[tilespmem:s10+$0xFFFFFFE0] =	vst v6  }
0xe1: {  	[tilespmem:s10+$0xFFFFFFF0] =	vst v5;
	v3 =	vadd.f32 v3, v0  }
0xe2: {  	s2 =	sshll.u32 s31, $0x12;
	[tilespmem:s10+$0x0] =	vst v4;
	v1 =	vadd.f32 v1, v0  }
0xe3: {  	s2 =	sadd.s32 s26, s2;
	v0 =	vadd.f32 v2, v0;
	[tilespmem:s10+$0x10] =	vst v3  }
0xe4: {  	s2 =	sshrl.u32 s2, $0x3;
	[tilespmem:s10+$0x20] =	vst v1  }
0xe5: {  	s2 =	sadd.s32 s4, s2;
	[tilespmem:s10+$0xFFFFFFC0] =	vst v0  }
0xe6: {  	[hbm4b:s2+s11] =	stream.strided.scatter [tilespmem:s21], [sflag:$0x5], $0x1000, s12, s11, $0x38;
	[tilespmem:$0x1F300] =	vst v63  }
0xe7: {  	_ =	swait.ge [sflag:s22], $0x1000  }
0xe8: {  	s10 =	sadd.s32 $0x6, s29;
	[sflag:s22] =	ssyncset.done $0x0  }
0xe9: {  	s14 =	sshll.u32 s10, $0x4;
	[sflag:s22] =	ssyncadd.s32 $0xFFFFF000  }
0xea: {  	s2 =	sshll.u32 s10, $0x9;
	s10 =	sand.u32 $0x60, s14;
	_ =	swait.ge [sflag:s20], $0x1000  }
0xeb: {  	s2 =	sand.u32 $0xF000, s2;
	s10 =	sadd.s32 s1, s10;
	[sflag:s20] =	ssyncset.done $0x0  }
0xec: {  	s25 =	sshrl.u32 s25, $0x2;
	s2 =	sadd.s32 s2, s10;
	[sflag:s20] =	ssyncadd.s32 $0xFFFFF000  }
0xed: {  	[tilespmem:s15], [sflag:$0x1] =	stream.strided.gather [hbm4b:s2+s11], $0x1000, s12, s11, $0x38;
	[tilespmem:$0x1F300] =	vst v63  }
0xee: {  	s31 =	simm.s32 $0x19740;
	v0 =	vld [tilespmem:s25+$0x1D700]  }
0xef: {  	v1 =	vld [tilespmem:s31+$0x30]  }
0xf0: {  	v2 =	vld [tilespmem:s31+$0xFFFFFFD0]  }
0xf1: {  	v3 =	vld [tilespmem:s31+$0xFFFFFFE0]  }
0xf2: {  	v4 =	vld [tilespmem:s31+$0xFFFFFFF0]  }
0xf3: {  	v7 =	vld [tilespmem:s31+$0x0]  }
0xf4: {  	v8 =	vld [tilespmem:s31+$0x10]  }
0xf5: {  	v9 =	vld [tilespmem:s31+$0x20]  }
0xf6: {  	v10 =	vld [tilespmem:s31+$0xFFFFFFC0]  }
0xf7: {  	v11 =	vld.idx.msk [tilespmem:v1+s5+$0x0], $0xffff  }
0xf8: {  	v12 =	vld.idx.msk [tilespmem:v2+s5+$0x0], $0xffff  }
0xf9: {  	v6 =	vld.idx.msk [tilespmem:v3+s5+$0x0], $0xffff  }
0xfa: {  	v5 =	vld.idx.msk [tilespmem:v4+s5+$0x0], $0xffff  }
0xfb: {  	v4 =	vld.idx.msk [tilespmem:v7+s5+$0x0], $0xffff  }
0xfc: {  	v3 =	vld.idx.msk [tilespmem:v8+s5+$0x0], $0xffff  }
0xfd: {  	v1 =	vld.idx.msk [tilespmem:v9+s5+$0x0], $0xffff;
	v7 =	vadd.f32 v11, v0  }
0xfe: {  	s14 =	simm.s32 $0x197C0;
	s10 =	simm.s32 $0x1B740;
	s2 =	simm.s32 $0x0;
	v2 =	vld.idx.msk [tilespmem:v10+s5+$0x0], $0xffff;
	v8 =	vadd.f32 v12, v0  }
.LBB2_12:
0xff: {  	v9 =	vld [tilespmem:s14+$0x30];
	s2 =	sadd.s32 $0x8, s2;
	v6 =	vadd.f32 v6, v0;
	[tilespmem:s10+$0x30] =	vst v7  }
0x100: {  	v5 =	vadd.f32 v5, v0;
	v7 =	vld [tilespmem:s14+$0xFFFFFFD0];
	p1 =	slt.u32 s2, $0xF8;
	[tilespmem:s10+$0xFFFFFFD0] =	vst v8  }
0x101: {  	v4 =	vadd.f32 v4, v0;
	v8 =	vld [tilespmem:s14+$0xFFFFFFE0];
	[tilespmem:s10+$0xFFFFFFE0] =	vst v6  }
0x102: {  	v3 =	vadd.f32 v3, v0;
	v10 =	vld [tilespmem:s14+$0xFFFFFFF0];
	[tilespmem:s10+$0xFFFFFFF0] =	vst v5  }
0x103: {  	v1 =	vadd.f32 v1, v0;
	v11 =	vld [tilespmem:s14+$0x0];
	[tilespmem:s10+$0x0] =	vst v4  }
0x104: {  	v2 =	vadd.f32 v2, v0;
	v12 =	vld [tilespmem:s14+$0x10];
	[tilespmem:s10+$0x10] =	vst v3  }
0x105: {  	v13 =	vld [tilespmem:s14+$0x20];
	[tilespmem:s10+$0x20] =	vst v1  }
0x106: {  	v14 =	vld [tilespmem:s14+$0xFFFFFFC0];
	[tilespmem:s10+$0xFFFFFFC0] =	vst v2  }
0x107: {  	v2 =	vld.idx.msk [tilespmem:v9+s5+$0x0], $0xffff  }
0x108: {  	v9 =	vld.idx.msk [tilespmem:v7+s5+$0x0], $0xffff  }
0x109: {  	v6 =	vld.idx.msk [tilespmem:v8+s5+$0x0], $0xffff  }
.Ltmp4:
0x10a: {  	v5 =	vld.idx.msk [tilespmem:v10+s5+$0x0], $0xffff;
	(pc) =	sbr.rel @p1 .LBB2_12-.Ltmp4, $4  }
0x10b: {  	v4 =	vld.idx.msk [tilespmem:v11+s5+$0x0], $0xffff  }
0x10c: {  	v3 =	vld.idx.msk [tilespmem:v12+s5+$0x0], $0xffff  }
0x10d: {  	v7 =	vadd.f32 v2, v0;
	v1 =	vld.idx.msk [tilespmem:v13+s5+$0x0], $0xffff  }
0x10e: {  	s14 =	sadd.s32 $0x80, s14;
	s10 =	sadd.s32 $0x80, s10;
	v8 =	vadd.f32 v9, v0;
	v2 =	vld.idx.msk [tilespmem:v14+s5+$0x0], $0xffff  }
0x10f: {  	v6 =	vadd.f32 v6, v0;
	[tilespmem:s10+$0x30] =	vst v7  }
0x110: {  	v5 =	vadd.f32 v5, v0;
	[tilespmem:s10+$0xFFFFFFD0] =	vst v8  }
0x111: {  	v4 =	vadd.f32 v4, v0;
	[tilespmem:s10+$0xFFFFFFE0] =	vst v6  }
0x112: {  	[tilespmem:s10+$0xFFFFFFF0] =	vst v5;
	v3 =	vadd.f32 v3, v0  }
0x113: {  	s0 =	sshll.u32 s0, $0x12;
	[tilespmem:s10+$0x0] =	vst v4;
	v1 =	vadd.f32 v1, v0  }
0x114: {  	s0 =	sadd.s32 s26, s0;
	v0 =	vadd.f32 v2, v0;
	[tilespmem:s10+$0x10] =	vst v3  }
0x115: {  	s0 =	sshrl.u32 s0, $0x3;
	[tilespmem:s10+$0x20] =	vst v1  }
0x116: {  	s0 =	sadd.s32 s4, s0;
	[tilespmem:s10+$0xFFFFFFC0] =	vst v0  }
0x117: {  	[hbm4b:s0+s11] =	stream.strided.scatter [tilespmem:s19], [sflag:$0x4], $0x1000, s12, s11, $0x38;
	[tilespmem:$0x1F300] =	vst v63  }
0x118: {  	_ =	swait.ge [sflag:s24], $0x1000  }
0x119: {  	s25 =	sadd.s32 $0x7, s29;
	[sflag:s24] =	ssyncset.done $0x0  }
0x11a: {  	s2 =	sshll.u32 s25, $0x4;
	[sflag:s24] =	ssyncadd.s32 $0xFFFFF000  }
0x11b: {  	s2 =	sand.u32 $0x70, s2;
	s0 =	sshll.u32 s25, $0x9;
	_ =	swait.ge [sflag:s23], $0x1000  }
0x11c: {  	s2 =	sadd.s32 s1, s2;
	s0 =	sand.u32 $0xF000, s0;
	[sflag:s23] =	ssyncset.done $0x0  }
0x11d: {  	s29 =	sshrl.u32 s3, $0x2;
	s0 =	sadd.s32 s0, s2;
	[sflag:s23] =	ssyncadd.s32 $0xFFFFF000  }
0x11e: {  	[tilespmem:s16], [sflag:$0x2] =	stream.strided.gather [hbm4b:s0+s11], $0x1000, s12, s11, $0x38;
	[tilespmem:$0x1F300] =	vst v63  }
0x11f: {  	s31 =	simm.s32 $0x1A740;
	v0 =	vld [tilespmem:s29+$0x1D700]  }
0x120: {  	v1 =	vld [tilespmem:s31+$0x30]  }
0x121: {  	v2 =	vld [tilespmem:s31+$0xFFFFFFD0]  }
0x122: {  	v3 =	vld [tilespmem:s31+$0xFFFFFFE0]  }
0x123: {  	v4 =	vld [tilespmem:s31+$0xFFFFFFF0]  }
0x124: {  	v7 =	vld [tilespmem:s31+$0x0]  }
0x125: {  	v8 =	vld [tilespmem:s31+$0x10]  }
0x126: {  	v9 =	vld [tilespmem:s31+$0x20]  }
0x127: {  	v10 =	vld [tilespmem:s31+$0xFFFFFFC0]  }
0x128: {  	v11 =	vld.idx.msk [tilespmem:v1+s5+$0x0], $0xffff  }
0x129: {  	v12 =	vld.idx.msk [tilespmem:v2+s5+$0x0], $0xffff  }
0x12a: {  	v6 =	vld.idx.msk [tilespmem:v3+s5+$0x0], $0xffff  }
0x12b: {  	v5 =	vld.idx.msk [tilespmem:v4+s5+$0x0], $0xffff  }
0x12c: {  	v4 =	vld.idx.msk [tilespmem:v7+s5+$0x0], $0xffff  }
0x12d: {  	v3 =	vld.idx.msk [tilespmem:v8+s5+$0x0], $0xffff  }
0x12e: {  	v1 =	vld.idx.msk [tilespmem:v9+s5+$0x0], $0xffff;
	v7 =	vadd.f32 v11, v0  }
0x12f: {  	s3 =	simm.s32 $0x1A7C0;
	s2 =	simm.s32 $0x0;
	s0 =	simm.s32 $0x1C740;
	v2 =	vld.idx.msk [tilespmem:v10+s5+$0x0], $0xffff;
	v8 =	vadd.f32 v12, v0  }
.LBB2_14:
0x130: {  	v9 =	vld [tilespmem:s3+$0x30];
	s2 =	sadd.s32 $0x8, s2;
	v6 =	vadd.f32 v6, v0;
	[tilespmem:s0+$0x30] =	vst v7  }
0x131: {  	v5 =	vadd.f32 v5, v0;
	v7 =	vld [tilespmem:s3+$0xFFFFFFD0];
	p1 =	slt.u32 s2, $0xF8;
	[tilespmem:s0+$0xFFFFFFD0] =	vst v8  }
0x132: {  	v4 =	vadd.f32 v4, v0;
	v8 =	vld [tilespmem:s3+$0xFFFFFFE0];
	[tilespmem:s0+$0xFFFFFFE0] =	vst v6  }
0x133: {  	v3 =	vadd.f32 v3, v0;
	v10 =	vld [tilespmem:s3+$0xFFFFFFF0];
	[tilespmem:s0+$0xFFFFFFF0] =	vst v5  }
0x134: {  	v1 =	vadd.f32 v1, v0;
	v11 =	vld [tilespmem:s3+$0x0];
	[tilespmem:s0+$0x0] =	vst v4  }
0x135: {  	v2 =	vadd.f32 v2, v0;
	v12 =	vld [tilespmem:s3+$0x10];
	[tilespmem:s0+$0x10] =	vst v3  }
0x136: {  	v13 =	vld [tilespmem:s3+$0x20];
	[tilespmem:s0+$0x20] =	vst v1  }
0x137: {  	v14 =	vld [tilespmem:s3+$0xFFFFFFC0];
	[tilespmem:s0+$0xFFFFFFC0] =	vst v2  }
0x138: {  	v2 =	vld.idx.msk [tilespmem:v9+s5+$0x0], $0xffff  }
0x139: {  	v9 =	vld.idx.msk [tilespmem:v7+s5+$0x0], $0xffff  }
0x13a: {  	v6 =	vld.idx.msk [tilespmem:v8+s5+$0x0], $0xffff  }
.Ltmp5:
0x13b: {  	v5 =	vld.idx.msk [tilespmem:v10+s5+$0x0], $0xffff;
	(pc) =	sbr.rel @p1 .LBB2_14-.Ltmp5, $4  }
0x13c: {  	v4 =	vld.idx.msk [tilespmem:v11+s5+$0x0], $0xffff  }
0x13d: {  	v3 =	vld.idx.msk [tilespmem:v12+s5+$0x0], $0xffff  }
0x13e: {  	v7 =	vadd.f32 v2, v0;
	v1 =	vld.idx.msk [tilespmem:v13+s5+$0x0], $0xffff  }
0x13f: {  	s3 =	sadd.s32 $0x80, s3;
	s0 =	sadd.s32 $0x80, s0;
	v8 =	vadd.f32 v9, v0;
	v2 =	vld.idx.msk [tilespmem:v14+s5+$0x0], $0xffff  }
0x140: {  	v6 =	vadd.f32 v6, v0;
	[tilespmem:s0+$0x30] =	vst v7  }
0x141: {  	v5 =	vadd.f32 v5, v0;
	[tilespmem:s0+$0xFFFFFFD0] =	vst v8  }
0x142: {  	s28 =	sadd.s32 $0x1, s28;
	v4 =	vadd.f32 v4, v0;
	[tilespmem:s0+$0xFFFFFFE0] =	vst v6  }
0x143: {  	p1 =	sne.s32 s28, $0x8;
	[tilespmem:s0+$0xFFFFFFF0] =	vst v5;
	v3 =	vadd.f32 v3, v0  }
.Ltmp6:
0x144: {  	s2 =	sshll.u32 s30, $0x12;
	[tilespmem:s0+$0x0] =	vst v4;
	v1 =	vadd.f32 v1, v0;
	(pc) =	sbr.rel @p1 .LBB2_3-.Ltmp6, $4  }
0x145: {  	s2 =	sadd.s32 s26, s2;
	v63 =	vadd.f32 v2, v0;
	[tilespmem:s0+$0x10] =	vst v3  }
0x146: {  	s2 =	sshrl.u32 s2, $0x3;
	[tilespmem:s0+$0x20] =	vst v1  }
0x147: {  	s31 =	sadd.s32 s4, s2;
	[tilespmem:s0+$0xFFFFFFC0] =	vst v63  }
0x148: {  	[hbm4b:s31+s11] =	stream.strided.scatter [tilespmem:s21], [sflag:$0x5], $0x1000, s12, s11, $0x38;
	[tilespmem:$0x1F300] =	vst v63  }
0x149: {  	_ =	swait.ge [sflag:s22], $0x1000  }
0x14a: {  	[sflag:s22] =	ssyncset.done $0x0  }
0x14b: {  	[sflag:s22] =	ssyncadd.s32 $0xFFFFF000  }
0x14c: {  	_ =	swait.ge [sflag:s17], $0x1000  }
0x14d: {  	[sflag:s17] =	ssyncset.done $0x0  }
0x14e: {  	[sflag:s17] =	ssyncadd.s32 $0xFFFFF000  }
0x14f: {  	s0 =	simm.s32 $0x18740;
	v0 =	vld [tilespmem:$0x1EF00]  }
0x150: {  	v1 =	vld [tilespmem:s0+$0x30]  }
0x151: {  	v2 =	vld [tilespmem:s0+$0xFFFFFFD0]  }
0x152: {  	v3 =	vld [tilespmem:s0+$0xFFFFFFE0]  }
0x153: {  	v4 =	vld [tilespmem:s0+$0xFFFFFFF0]  }
0x154: {  	v7 =	vld [tilespmem:s0+$0x0]  }
0x155: {  	v8 =	vld [tilespmem:s0+$0x10]  }
0x156: {  	v9 =	vld [tilespmem:s0+$0x20]  }
0x157: {  	v10 =	vld [tilespmem:s0+$0xFFFFFFC0]  }
0x158: {  	v11 =	vld.idx.msk [tilespmem:v1+s5+$0x0], $0xffff  }
0x159: {  	v12 =	vld.idx.msk [tilespmem:v2+s5+$0x0], $0xffff  }
0x15a: {  	v6 =	vld.idx.msk [tilespmem:v3+s5+$0x0], $0xffff  }
0x15b: {  	v5 =	vld.idx.msk [tilespmem:v4+s5+$0x0], $0xffff  }
0x15c: {  	v4 =	vld.idx.msk [tilespmem:v7+s5+$0x0], $0xffff  }
0x15d: {  	v2 =	vld.idx.msk [tilespmem:v8+s5+$0x0], $0xffff  }
0x15e: {  	v1 =	vld.idx.msk [tilespmem:v9+s5+$0x0], $0xffff;
	v7 =	vadd.f32 v11, v0  }
0x15f: {  	s3 =	simm.s32 $0x1B740;
	s2 =	simm.s32 $0x187C0;
	s0 =	simm.s32 $0x0;
	v3 =	vld.idx.msk [tilespmem:v10+s5+$0x0], $0xffff;
	v8 =	vadd.f32 v12, v0  }
.LBB2_17:
0x160: {  	v9 =	vld [tilespmem:s2+$0x30];
	s0 =	sadd.s32 $0x8, s0;
	v6 =	vadd.f32 v6, v0;
	[tilespmem:s3+$0x30] =	vst v7  }
0x161: {  	v5 =	vadd.f32 v5, v0;
	v7 =	vld [tilespmem:s2+$0xFFFFFFD0];
	p1 =	slt.u32 s0, $0xF8;
	[tilespmem:s3+$0xFFFFFFD0] =	vst v8  }
0x162: {  	v4 =	vadd.f32 v4, v0;
	v8 =	vld [tilespmem:s2+$0xFFFFFFE0];
	[tilespmem:s3+$0xFFFFFFE0] =	vst v6  }
0x163: {  	v2 =	vadd.f32 v2, v0;
	v10 =	vld [tilespmem:s2+$0xFFFFFFF0];
	[tilespmem:s3+$0xFFFFFFF0] =	vst v5  }
0x164: {  	v1 =	vadd.f32 v1, v0;
	v11 =	vld [tilespmem:s2+$0x0];
	[tilespmem:s3+$0x0] =	vst v4  }
0x165: {  	v3 =	vadd.f32 v3, v0;
	v12 =	vld [tilespmem:s2+$0x10];
	[tilespmem:s3+$0x10] =	vst v2  }
0x166: {  	v13 =	vld [tilespmem:s2+$0x20];
	[tilespmem:s3+$0x20] =	vst v1  }
0x167: {  	v14 =	vld [tilespmem:s2+$0xFFFFFFC0];
	[tilespmem:s3+$0xFFFFFFC0] =	vst v3  }
0x168: {  	v3 =	vld.idx.msk [tilespmem:v9+s5+$0x0], $0xffff  }
0x169: {  	v9 =	vld.idx.msk [tilespmem:v7+s5+$0x0], $0xffff  }
0x16a: {  	v6 =	vld.idx.msk [tilespmem:v8+s5+$0x0], $0xffff  }
.Ltmp7:
0x16b: {  	v5 =	vld.idx.msk [tilespmem:v10+s5+$0x0], $0xffff;
	(pc) =	sbr.rel @p1 .LBB2_17-.Ltmp7, $4  }
0x16c: {  	v4 =	vld.idx.msk [tilespmem:v11+s5+$0x0], $0xffff  }
0x16d: {  	v2 =	vld.idx.msk [tilespmem:v12+s5+$0x0], $0xffff  }
0x16e: {  	v7 =	vadd.f32 v3, v0;
	v1 =	vld.idx.msk [tilespmem:v13+s5+$0x0], $0xffff  }
0x16f: {  	s2 =	sadd.s32 $0x80, s2;
	s3 =	sadd.s32 $0x80, s3;
	v8 =	vadd.f32 v9, v0;
	v3 =	vld.idx.msk [tilespmem:v14+s5+$0x0], $0xffff  }
0x170: {  	v6 =	vadd.f32 v6, v0;
	[tilespmem:s3+$0x30] =	vst v7  }
0x171: {  	v5 =	vadd.f32 v5, v0;
	[tilespmem:s3+$0xFFFFFFD0] =	vst v8  }
0x172: {  	v4 =	vadd.f32 v4, v0;
	[tilespmem:s3+$0xFFFFFFE0] =	vst v6  }
0x173: {  	[tilespmem:s3+$0xFFFFFFF0] =	vst v5;
	v2 =	vadd.f32 v2, v0  }
0x174: {  	[tilespmem:s3+$0x0] =	vst v4;
	v1 =	vadd.f32 v1, v0  }
0x175: {  	s0 =	sshrl.u32 s26, $0x3;
	v0 =	vadd.f32 v3, v0;
	[tilespmem:s3+$0x10] =	vst v2  }
0x176: {  	s2 =	sor.u32 $0x180000, s0;
	[tilespmem:s3+$0x20] =	vst v1  }
0x177: {  	s2 =	sadd.s32 s4, s2;
	[tilespmem:s3+$0xFFFFFFC0] =	vst v0  }
0x178: {  	[hbm4b:s2+s11] =	stream.strided.scatter [tilespmem:s19], [sflag:$0x4], $0x1000, s12, s11, $0x38;
	[tilespmem:$0x1F300] =	vst v63  }
0x179: {  	_ =	swait.ge [sflag:s24], $0x1000  }
0x17a: {  	[sflag:s24] =	ssyncset.done $0x0  }
0x17b: {  	[sflag:s24] =	ssyncadd.s32 $0xFFFFF000  }
0x17c: {  	_ =	swait.ge [sflag:s20], $0x1000  }
0x17d: {  	[sflag:s20] =	ssyncset.done $0x0  }
0x17e: {  	[sflag:s20] =	ssyncadd.s32 $0xFFFFF000  }
0x17f: {  	s31 =	simm.s32 $0x19740;
	v0 =	vld [tilespmem:$0x1EF80]  }
0x180: {  	v1 =	vld [tilespmem:s31+$0x30]  }
0x181: {  	v2 =	vld [tilespmem:s31+$0xFFFFFFD0]  }
0x182: {  	v3 =	vld [tilespmem:s31+$0xFFFFFFE0]  }
0x183: {  	v4 =	vld [tilespmem:s31+$0xFFFFFFF0]  }
0x184: {  	v7 =	vld [tilespmem:s31+$0x0]  }
0x185: {  	v8 =	vld [tilespmem:s31+$0x10]  }
0x186: {  	v9 =	vld [tilespmem:s31+$0x20]  }
0x187: {  	v10 =	vld [tilespmem:s31+$0xFFFFFFC0]  }
0x188: {  	v11 =	vld.idx.msk [tilespmem:v1+s5+$0x0], $0xffff  }
0x189: {  	v12 =	vld.idx.msk [tilespmem:v2+s5+$0x0], $0xffff  }
0x18a: {  	v6 =	vld.idx.msk [tilespmem:v3+s5+$0x0], $0xffff  }
0x18b: {  	v5 =	vld.idx.msk [tilespmem:v4+s5+$0x0], $0xffff  }
0x18c: {  	v4 =	vld.idx.msk [tilespmem:v7+s5+$0x0], $0xffff  }
0x18d: {  	v2 =	vld.idx.msk [tilespmem:v8+s5+$0x0], $0xffff  }
0x18e: {  	v1 =	vld.idx.msk [tilespmem:v9+s5+$0x0], $0xffff;
	v7 =	vadd.f32 v11, v0  }
0x18f: {  	s10 =	simm.s32 $0x197C0;
	s3 =	simm.s32 $0x1C740;
	s2 =	simm.s32 $0x0;
	v3 =	vld.idx.msk [tilespmem:v10+s5+$0x0], $0xffff;
	v8 =	vadd.f32 v12, v0  }
.LBB2_19:
0x190: {  	v9 =	vld [tilespmem:s10+$0x30];
	s2 =	sadd.s32 $0x8, s2;
	v6 =	vadd.f32 v6, v0;
	[tilespmem:s3+$0x30] =	vst v7  }
0x191: {  	v5 =	vadd.f32 v5, v0;
	v7 =	vld [tilespmem:s10+$0xFFFFFFD0];
	p1 =	slt.u32 s2, $0xF8;
	[tilespmem:s3+$0xFFFFFFD0] =	vst v8  }
0x192: {  	v4 =	vadd.f32 v4, v0;
	v8 =	vld [tilespmem:s10+$0xFFFFFFE0];
	[tilespmem:s3+$0xFFFFFFE0] =	vst v6  }
0x193: {  	v2 =	vadd.f32 v2, v0;
	v10 =	vld [tilespmem:s10+$0xFFFFFFF0];
	[tilespmem:s3+$0xFFFFFFF0] =	vst v5  }
0x194: {  	v1 =	vadd.f32 v1, v0;
	v11 =	vld [tilespmem:s10+$0x0];
	[tilespmem:s3+$0x0] =	vst v4  }
0x195: {  	v3 =	vadd.f32 v3, v0;
	v12 =	vld [tilespmem:s10+$0x10];
	[tilespmem:s3+$0x10] =	vst v2  }
0x196: {  	v13 =	vld [tilespmem:s10+$0x20];
	[tilespmem:s3+$0x20] =	vst v1  }
0x197: {  	v14 =	vld [tilespmem:s10+$0xFFFFFFC0];
	[tilespmem:s3+$0xFFFFFFC0] =	vst v3  }
0x198: {  	v3 =	vld.idx.msk [tilespmem:v9+s5+$0x0], $0xffff  }
0x199: {  	v9 =	vld.idx.msk [tilespmem:v7+s5+$0x0], $0xffff  }
0x19a: {  	v6 =	vld.idx.msk [tilespmem:v8+s5+$0x0], $0xffff  }
.Ltmp8:
0x19b: {  	v5 =	vld.idx.msk [tilespmem:v10+s5+$0x0], $0xffff;
	(pc) =	sbr.rel @p1 .LBB2_19-.Ltmp8, $4  }
0x19c: {  	v4 =	vld.idx.msk [tilespmem:v11+s5+$0x0], $0xffff  }
0x19d: {  	v2 =	vld.idx.msk [tilespmem:v12+s5+$0x0], $0xffff  }
0x19e: {  	v7 =	vadd.f32 v3, v0;
	v1 =	vld.idx.msk [tilespmem:v13+s5+$0x0], $0xffff  }
0x19f: {  	s10 =	sadd.s32 $0x80, s10;
	s3 =	sadd.s32 $0x80, s3;
	v8 =	vadd.f32 v9, v0;
	v3 =	vld.idx.msk [tilespmem:v14+s5+$0x0], $0xffff  }
0x1a0: {  	v6 =	vadd.f32 v6, v0;
	[tilespmem:s3+$0x30] =	vst v7  }
0x1a1: {  	v5 =	vadd.f32 v5, v0;
	[tilespmem:s3+$0xFFFFFFD0] =	vst v8  }
0x1a2: {  	v4 =	vadd.f32 v4, v0;
	[tilespmem:s3+$0xFFFFFFE0] =	vst v6  }
0x1a3: {  	[tilespmem:s3+$0xFFFFFFF0] =	vst v5;
	v2 =	vadd.f32 v2, v0  }
0x1a4: {  	[tilespmem:s3+$0x0] =	vst v4;
	v1 =	vadd.f32 v1, v0  }
0x1a5: {  	v63 =	vadd.f32 v3, v0;
	[tilespmem:s3+$0x10] =	vst v2  }
0x1a6: {  	s0 =	sor.u32 $0x188000, s0;
	[tilespmem:s3+$0x20] =	vst v1  }
0x1a7: {  	s0 =	sadd.s32 s4, s0;
	[tilespmem:s3+$0xFFFFFFC0] =	vst v63  }
0x1a8: {  	[hbm4b:s0+s11] =	stream.strided.scatter [tilespmem:s21], [sflag:$0x5], $0x1000, s12, s11, $0x38;
	[tilespmem:$0x1F300] =	vst v63  }
0x1a9: {  	_ =	swait.ge [sflag:s22], $0x1000  }
.Ltmp9:
0x1aa: {  	[sflag:s22] =	ssyncset.done $0x0;
	(pc) =	sbr.rel @p0 .LBB2_2-.Ltmp9, $4  }
0x1ab: {  	[sflag:s22] =	ssyncadd.s32 $0xFFFFF000  }
0x1ac: {  	_ =	swait.ge [sflag:s24], $0x1000  }
0x1ad: {  	[sflag:s24] =	ssyncset.done $0x0  }
0x1ae: {  	p1 =	por $0x0, $0x0;
	s0 =	simm.s32 $0x20;
	[sflag:s24] =	ssyncadd.s32 $0xFFFFF000  }
0x1af: {  	s2 =	rddreg [dreg:$0x6]  }
0x1b0: {  	s0 =	rddreg [dreg:$0x5];
	s2 =	sadd.s32 $0x1, s2  }
0x1b1: {  	p0 =	sne.s32 s2, s0  }
.Ltmp10:
0x1b2: {  	_ = 	snop;
	(pc) =	sbr.rel @p0 .LBB2_1-.Ltmp10, $1  }
0x1b3: {  	_ =	sdelay $0x3  }
0x1b4: {  	_ =	sfence.sel $0x180000  }
0x1b5: {  	[bflag:$0x0] =	sbarrier.arrive $0xFFFF  }
0x1b6: {  	_ =	strace $0x90000047  }
0x1b7: {  	s0 =	stileid.u32;
	[bflag:$0x2] =	sbarrier.arrive $0xFFFF  }
0x1b8: {  	p0 =	sne.s32 s0, $0x0;
	s0 =	rddreg [dreg:$0x4]  }
0x1b9: {  	s0 =	sadd.s32 @!p0 $0x100000, s0  }
0x1ba: {  	[sflag:s0] =	ssyncadd.tile.s32 @!p0 $0x1;
	_ =	shalt  }
.Lfunc_end2:
_tile_overlayer_lowered:
.L_overlay_start_2:
0x1bb: {  	(tag) =	ssettag $0x2  }
0x1bc: {  	s0 =	rddreg [dreg:$0x0];
	s2 =	stileid.u32  }
0x1bd: {  	s1 =	rddreg [dreg:$0x1];
	p0 =	sne.s32 s2, $0x0  }
0x1be: {  	s3 =	rddreg [dreg:$0x2];
	[bflag:$0x3] =	sbarrier.arrive $0xFFFF;
	s2 =	simm.s32 @!p0 $0x1C06  }
0x1bf: {  	[timem:s3], [sflag:s2] =	dma.local @!p0 [hbm:s0], s1  }
0x1c0: {  	s0 =	simm.s32 @!p0 $0x6  }
0x1c1: {  	_ =	swait.ge @!p0 [sflag:s0], s1  }
0x1c2: {  	s1 =	ssub.s32 @!p0 $0x0, s1;
	[sflag:s0] =	ssyncset.done @!p0 $0x0  }
0x1c3: {  	[sflag:s0] =	ssyncadd.s32 @!p0 s1  }
0x1c4: {  	[bflag:$0x3] =	sbarrier.arrive $0xFFFF  }
0x1c5: {  	_ =	shalt  }

</sc_bundles>
